<compile_context>
chip_gen: v7x
topology: tpu7x:2x2x1
jax: 0.10.2.dev20260603
libtpu: 0.0.44.dev20260713+nightly
codegen_flags: <defaults>
</compile_context>

<pallas_src>
import functools

import jax
import jax.numpy as jnp
from jax import lax
from jax.experimental import pallas as pl
from jax.experimental.pallas import tpu as pltpu
from jax.experimental.pallas import tpu_sc as plsc

N_NODES = 10000
N_EDGES = 320000
DIM = 128
ADIM = 64

NC = 2
NS = 16
NW = NC * NS
EPW = N_EDGES // NW
BC = 80
NCH = EPW // BC
NPAD = 10240
RPT = NPAD // NS

_mesh = plsc.VectorSubcoreMesh(core_axis_name="c", subcore_axis_name="s")


def _wid():
    return lax.axis_index("s") * NC + lax.axis_index("c")


@functools.partial(
    pl.kernel,
    mesh=_mesh,
    out_type=jax.ShapeDtypeStruct((N_EDGES, DIM), jnp.float32),
    scratch_types=[
        pltpu.VMEM((NCH, BC), jnp.int32),
        pltpu.VMEM((NCH, BC), jnp.int32),
        pltpu.VMEM((BC, DIM), jnp.float32),
        pltpu.VMEM((BC, DIM), jnp.float32),
        pltpu.SemaphoreType.DMA,
    ],
)
def _gather_sum(hid_hbm, rel_hbm, subi_hbm, reli_hbm, g_hbm,
                subbuf, relbuf, hbuf, rbuf, sem):
    w = _wid()
    pltpu.sync_copy(subi_hbm.at[w], subbuf)
    pltpu.sync_copy(reli_hbm.at[w], relbuf)

    def chunk(c, _):
        d1 = pltpu.async_copy(hid_hbm.at[subbuf.at[c]], hbuf, sem)
        d2 = pltpu.async_copy(rel_hbm.at[relbuf.at[c]], rbuf, sem)
        d1.wait()
        d2.wait()

        def row(i, _):
            for j in range(DIM // 16):
                sl = pl.ds(j * 16, 16)
                hbuf[i, sl] = hbuf[i, sl] + rbuf[i, sl]
            return _

        lax.fori_loop(0, BC, row, 0)
        pltpu.sync_copy(hbuf, g_hbm.at[pl.ds(w * EPW + c * BC, BC)])
        return _

    lax.fori_loop(0, NCH, chunk, 0)


@functools.partial(
    pl.kernel,
    mesh=_mesh,
    out_type=jax.ShapeDtypeStruct((NC, NPAD, DIM), jnp.float32),
    scratch_types=[
        pltpu.VMEM((NCH, BC), jnp.int32),
        pltpu.VMEM((BC, DIM), jnp.float32),
        pltpu.VMEM((BC, DIM), jnp.float32),
        pltpu.VMEM_SHARED((NPAD, DIM), jnp.float32),
    ],
)
def _scatter_add(xw_hbm, obji_hbm, z_hbm, objbuf, xwbuf, zerobuf, zsh):
    cid = lax.axis_index("c")
    sid = lax.axis_index("s")
    w = _wid()

    def zrow(i, _):
        for j in range(DIM // 16):
            zerobuf[i, pl.ds(j * 16, 16)] = jnp.zeros((16,), jnp.float32)
        return _

    lax.fori_loop(0, BC, zrow, 0)

    def zcopy(r, _):
        pltpu.sync_copy(zerobuf, zsh.at[pl.ds(sid * RPT + r * BC, BC)])
        return _

    lax.fori_loop(0, RPT // BC, zcopy, 0)
    pltpu.sync_copy(obji_hbm.at[w], objbuf)
    plsc.subcore_barrier()

    def chunk(c, _):
        pltpu.sync_copy(xw_hbm.at[pl.ds(w * EPW + c * BC, BC)], xwbuf)
        pltpu.sync_copy(xwbuf, zsh.at[objbuf.at[c]], add=True)
        return _

    lax.fori_loop(0, NCH, chunk, 0)
    plsc.subcore_barrier()
    pltpu.sync_copy(zsh.at[pl.ds(sid * RPT, RPT)],
                    z_hbm.at[cid, pl.ds(sid * RPT, RPT)])


def _weights_body(w1_ref, wsa_ref, wh_ref, a_ref, c_ref):
    w1 = w1_ref[...]
    a_ref[...] = jnp.dot(w1, wsa_ref[...], preferred_element_type=jnp.float32)
    c_ref[...] = jnp.dot(w1, wh_ref[...], preferred_element_type=jnp.float32)


def _edge_body(hs_ref, g_ref, a_ref, w_ref, b_ref, alpha_ref, xw_ref):
    x = hs_ref[...] + g_ref[...]
    u = jnp.dot(x, a_ref[...], preferred_element_type=jnp.float32)
    t = jnp.maximum(u, 0.0)
    logit = jnp.dot(t, w_ref[...], preferred_element_type=jnp.float32) + b_ref[0, 0]
    alpha = 1.0 / (1.0 + jnp.exp(-logit))
    alpha_ref[...] = alpha
    xw_ref[...] = x * alpha


def _final_body(z_ref, c_ref, out_ref):
    z = z_ref[0] + z_ref[1]
    out_ref[...] = jnp.dot(z, c_ref[...], preferred_element_type=jnp.float32)


BE = 4000


def kernel(q_sub, hidden, edges, n_node, old_nodes_new_idx, entity_pretrain_emb,
           h_sub, rela_embed, W1, Ws_attn, Wr_attn, w_alpha_w, w_alpha_b, W_h):
    sub = edges[:, 4].reshape(NW, NCH, BC)
    rel = edges[:, 2].reshape(NW, NCH, BC)
    obj = edges[:, 5].reshape(NW, NCH, BC)

    a_mat, c_mat = pl.pallas_call(
        _weights_body,
        out_shape=(
            jax.ShapeDtypeStruct((DIM, ADIM), jnp.float32),
            jax.ShapeDtypeStruct((DIM, DIM), jnp.float32),
        ),
    )(W1, Ws_attn, W_h)

    g = _gather_sum(hidden, rela_embed, sub, rel)

    alpha, xw = pl.pallas_call(
        _edge_body,
        grid=(N_EDGES // BE,),
        in_specs=[
            pl.BlockSpec((BE, DIM), lambda i: (i, 0)),
            pl.BlockSpec((BE, DIM), lambda i: (i, 0)),
            pl.BlockSpec((DIM, ADIM), lambda i: (0, 0)),
            pl.BlockSpec((ADIM, 1), lambda i: (0, 0)),
            pl.BlockSpec((1, 1), lambda i: (0, 0)),
        ],
        out_specs=[
            pl.BlockSpec((BE, 1), lambda i: (i, 0)),
            pl.BlockSpec((BE, DIM), lambda i: (i, 0)),
        ],
        out_shape=(
            jax.ShapeDtypeStruct((N_EDGES, 1), jnp.float32),
            jax.ShapeDtypeStruct((N_EDGES, DIM), jnp.float32),
        ),
    )(h_sub, g, a_mat, w_alpha_w, w_alpha_b.reshape(1, 1))

    zpart = _scatter_add(xw, obj)

    RB = 1000
    hidden_new = pl.pallas_call(
        _final_body,
        grid=(N_NODES // RB,),
        in_specs=[
            pl.BlockSpec((NC, RB, DIM), lambda i: (0, i, 0)),
            pl.BlockSpec((DIM, DIM), lambda i: (0, 0)),
        ],
        out_specs=pl.BlockSpec((RB, DIM), lambda i: (i, 0)),
        out_shape=jax.ShapeDtypeStruct((N_NODES, DIM), jnp.float32),
    )(zpart, c_mat)

    return (hidden_new, alpha)

# --- scband reference (transcript-rebuilt; emitter-appended) ---
"""Pipeline reference for scband-gnnlayer-10763188043794 (READ-ONLY COPY).

The authoritative reference and input builder live on the scoring server;
editing this copy changes nothing except your own understanding.
"""

import jax, jax.numpy as jnp
import numpy as np

N_NODE = 10000
N_EDGE = 320000
IN_DIM = 128
OUT_DIM = 128
ATTN_DIM = 64
N_REL = 10000


def setup_inputs(seed: int = 0) -> dict:
    key = jax.random.key(seed)
    ks = jax.random.split(key, 14)
    q_sub = jax.random.randint(ks[0], (64,), 0, N_NODE)
    hidden = jax.random.normal(ks[1], (N_NODE, IN_DIM), dtype=jnp.float32)
    sub = jax.random.randint(ks[2], (N_EDGE,), 0, N_NODE)
    rel = jax.random.randint(ks[3], (N_EDGE,), 0, N_REL)
    obj = jax.random.randint(ks[4], (N_EDGE,), 0, N_NODE)
    # edges layout: col 2 = rel, col 4 = sub, col 5 = obj (cols 0,1,3 unused by forward)
    edges = jnp.stack([sub, obj, rel, rel, sub, obj], axis=1)
    old_nodes_new_idx = jax.random.randint(ks[5], (5000,), 0, N_NODE)
    entity_pretrain_emb = jax.random.normal(ks[6], (N_NODE, IN_DIM), dtype=jnp.float32)
    h_sub = jax.random.normal(ks[7], (N_EDGE, IN_DIM), dtype=jnp.float32)
    # learned parameters
    rela_embed = jax.random.normal(ks[8], (N_REL, IN_DIM), dtype=jnp.float32) * 0.02
    W1 = jax.random.normal(ks[9], (IN_DIM, IN_DIM), dtype=jnp.float32) / np.sqrt(IN_DIM)
    Ws_attn = jax.random.normal(ks[10], (IN_DIM, ATTN_DIM), dtype=jnp.float32) / np.sqrt(IN_DIM)
    Wr_attn = jax.random.normal(ks[11], (IN_DIM, ATTN_DIM), dtype=jnp.float32) / np.sqrt(IN_DIM)
    w_alpha_w = jax.random.normal(ks[12], (ATTN_DIM, 1), dtype=jnp.float32) / np.sqrt(ATTN_DIM)
    w_alpha_b = jnp.zeros((1,), dtype=jnp.float32)
    W_h = jax.random.normal(ks[13], (IN_DIM, OUT_DIM), dtype=jnp.float32) / np.sqrt(IN_DIM)
    return {
        "q_sub": q_sub,
        "hidden": hidden,
        "edges": edges,
        "n_node": N_NODE,
        "old_nodes_new_idx": old_nodes_new_idx,
        "entity_pretrain_emb": entity_pretrain_emb,
        "h_sub": h_sub,
        "rela_embed": rela_embed,
        "W1": W1,
        "Ws_attn": Ws_attn,
        "Wr_attn": Wr_attn,
        "w_alpha_w": w_alpha_w,
        "w_alpha_b": w_alpha_b,
        "W_h": W_h,
    }


def reference(q_sub, hidden, edges, n_node, old_nodes_new_idx, entity_pretrain_emb,
              h_sub, rela_embed, W1, Ws_attn, Wr_attn, w_alpha_w, w_alpha_b, W_h):
    # act = identity (default lambda x: x)
    sub = edges[:, 4]
    rel = edges[:, 2]
    obj = edges[:, 5]
    obj = obj + (n_node - n_node)
    hs = jnp.take(hidden, sub, axis=0)            # gather node states per edge
    hr = jnp.take(rela_embed, rel, axis=0)        # embedding lookup per edge
    message = (hs + hr + h_sub) @ W1              # W1 (bias-free linear, combine_by='sum')
    alpha = jax.nn.sigmoid(jax.nn.relu(message @ Ws_attn) @ w_alpha_w + w_alpha_b)
    message = alpha * message
    message_agg = jax.ops.segment_sum(message, obj, num_segments=hidden.shape[0])  # scatter-add by obj
    hidden_new = message_agg @ W_h                # W_h (bias-free linear), act = identity
    return (hidden_new, alpha)

if __name__ == "__main__":
    import jax
    _d = setup_inputs()
    print(jax.jit(kernel)(*tuple(_d.values())))

</pallas_src>

<mosaic_0001>
#map = affine_map<(d0, d1) -> (0, 0)>
#map1 = affine_map<(d0, d1) -> (0, 0, 0)>
module attributes {stable_mosaic.version = 14 : i64} {
  func.func @_gather_sum(%arg0: i32, %arg1: i32, %arg2: memref<10000x128xf32, #tpu.memory_space<hbm>>, %arg3: memref<10000x128xf32, #tpu.memory_space<hbm>>, %arg4: memref<32x125x80xi32, #tpu.memory_space<hbm>>, %arg5: memref<32x125x80xi32, #tpu.memory_space<hbm>>, %arg6: memref<320000x128xf32, #tpu.memory_space<hbm>>, %arg7: memref<125x80xi32, #tpu.memory_space<vmem>>, %arg8: memref<125x80xi32, #tpu.memory_space<vmem>>, %arg9: memref<80x128xf32, #tpu.memory_space<vmem>>, %arg10: memref<80x128xf32, #tpu.memory_space<vmem>>, %arg11: memref<!tpu.dma_semaphore, #tpu.memory_space<semaphore_mem>>) attributes {dimension_semantics = [#tpu.dimension_semantics<core_parallel>, #tpu.dimension_semantics<subcore_parallel>], iteration_bounds = array<i64: 2, 16>, scalar_prefetch = 0 : i64, scratch_operands = 5 : i64, tpu.core_type = #tpu.core_type<sc_vector_subcore>, window_params = [{transform_indices = #map}, {transform_indices = #map}, {transform_indices = #map1}, {transform_indices = #map1}, {transform_indices = #map}]} {
    %mul3A = arith.constant 2 : i32
    %mul3A_0 = arith.muli %arg1, %mul3A : i32
    %add3A = arith.addi %mul3A_0, %arg0 : i32
    "tpu.region"() ({
      %run_scoped3A = tpu.sem_alloc : memref<!tpu.dma_semaphore, #tpu.memory_space<semaphore_mem>>
      %dma_start3A = arith.constant 0 : i32
      %dma_start3A_6 = arith.constant 0 : i32
      %dma_start3A_7 = tpu.memref_slice %arg4[%add3A, %dma_start3A, %dma_start3A_6] : memref<32x125x80xi32, #tpu.memory_space<hbm>> -> memref<1x125x80xi32, #tpu.memory_space<hbm>>
      %dma_start3A_8 = tpu.memref_squeeze %dma_start3A_7 : memref<1x125x80xi32, #tpu.memory_space<hbm>> -> memref<125x80xi32, #tpu.memory_space<hbm>>
      %dma_start3A_9 = arith.constant 0 : i32
      %dma_start3A_10 = arith.constant 0 : i32
      %dma_start3A_11 = tpu.memref_slice %arg4[%add3A, %dma_start3A_9, %dma_start3A_10] : memref<32x125x80xi32, #tpu.memory_space<hbm>> -> memref<1x125x80xi32, #tpu.memory_space<hbm>>
      %dma_start3A_12 = tpu.memref_squeeze %dma_start3A_11 : memref<1x125x80xi32, #tpu.memory_space<hbm>> -> memref<125x80xi32, #tpu.memory_space<hbm>>
      tpu.enqueue_dma source(%dma_start3A_12 : memref<125x80xi32, #tpu.memory_space<hbm>>) target(%arg7 : memref<125x80xi32, #tpu.memory_space<vmem>>) target_semaphore(%run_scoped3A : memref<!tpu.dma_semaphore, #tpu.memory_space<semaphore_mem>>)
      %dma_wait3A = arith.constant 0 : i32
      %dma_wait3A_13 = arith.constant 0 : i32
      %dma_wait3A_14 = tpu.memref_slice %arg4[%add3A, %dma_wait3A, %dma_wait3A_13] : memref<32x125x80xi32, #tpu.memory_space<hbm>> -> memref<1x125x80xi32, #tpu.memory_space<hbm>>
      %dma_wait3A_15 = tpu.memref_squeeze %dma_wait3A_14 : memref<1x125x80xi32, #tpu.memory_space<hbm>> -> memref<125x80xi32, #tpu.memory_space<hbm>>
      %dma_wait3A_16 = arith.constant 0 : i32
      %dma_wait3A_17 = arith.constant 0 : i32
      %dma_wait3A_18 = tpu.memref_slice %arg4[%add3A, %dma_wait3A_16, %dma_wait3A_17] : memref<32x125x80xi32, #tpu.memory_space<hbm>> -> memref<1x125x80xi32, #tpu.memory_space<hbm>>
      %dma_wait3A_19 = tpu.memref_squeeze %dma_wait3A_18 : memref<1x125x80xi32, #tpu.memory_space<hbm>> -> memref<125x80xi32, #tpu.memory_space<hbm>>
      tpu.wait_dma2 semaphore(%run_scoped3A : memref<!tpu.dma_semaphore, #tpu.memory_space<semaphore_mem>>) src(%dma_wait3A_19 : memref<125x80xi32, #tpu.memory_space<hbm>>) dst(%arg7 : memref<125x80xi32, #tpu.memory_space<vmem>>)
      tpu.yield
    }) : () -> ()
    "tpu.region"() ({
      %run_scoped3A = tpu.sem_alloc : memref<!tpu.dma_semaphore, #tpu.memory_space<semaphore_mem>>
      %dma_start3A = arith.constant 0 : i32
      %dma_start3A_6 = arith.constant 0 : i32
      %dma_start3A_7 = tpu.memref_slice %arg5[%add3A, %dma_start3A, %dma_start3A_6] : memref<32x125x80xi32, #tpu.memory_space<hbm>> -> memref<1x125x80xi32, #tpu.memory_space<hbm>>
      %dma_start3A_8 = tpu.memref_squeeze %dma_start3A_7 : memref<1x125x80xi32, #tpu.memory_space<hbm>> -> memref<125x80xi32, #tpu.memory_space<hbm>>
      %dma_start3A_9 = arith.constant 0 : i32
      %dma_start3A_10 = arith.constant 0 : i32
      %dma_start3A_11 = tpu.memref_slice %arg5[%add3A, %dma_start3A_9, %dma_start3A_10] : memref<32x125x80xi32, #tpu.memory_space<hbm>> -> memref<1x125x80xi32, #tpu.memory_space<hbm>>
      %dma_start3A_12 = tpu.memref_squeeze %dma_start3A_11 : memref<1x125x80xi32, #tpu.memory_space<hbm>> -> memref<125x80xi32, #tpu.memory_space<hbm>>
      tpu.enqueue_dma source(%dma_start3A_12 : memref<125x80xi32, #tpu.memory_space<hbm>>) target(%arg8 : memref<125x80xi32, #tpu.memory_space<vmem>>) target_semaphore(%run_scoped3A : memref<!tpu.dma_semaphore, #tpu.memory_space<semaphore_mem>>)
      %dma_wait3A = arith.constant 0 : i32
      %dma_wait3A_13 = arith.constant 0 : i32
      %dma_wait3A_14 = tpu.memref_slice %arg5[%add3A, %dma_wait3A, %dma_wait3A_13] : memref<32x125x80xi32, #tpu.memory_space<hbm>> -> memref<1x125x80xi32, #tpu.memory_space<hbm>>
      %dma_wait3A_15 = tpu.memref_squeeze %dma_wait3A_14 : memref<1x125x80xi32, #tpu.memory_space<hbm>> -> memref<125x80xi32, #tpu.memory_space<hbm>>
      %dma_wait3A_16 = arith.constant 0 : i32
      %dma_wait3A_17 = arith.constant 0 : i32
      %dma_wait3A_18 = tpu.memref_slice %arg5[%add3A, %dma_wait3A_16, %dma_wait3A_17] : memref<32x125x80xi32, #tpu.memory_space<hbm>> -> memref<1x125x80xi32, #tpu.memory_space<hbm>>
      %dma_wait3A_19 = tpu.memref_squeeze %dma_wait3A_18 : memref<1x125x80xi32, #tpu.memory_space<hbm>> -> memref<125x80xi32, #tpu.memory_space<hbm>>
      tpu.wait_dma2 semaphore(%run_scoped3A : memref<!tpu.dma_semaphore, #tpu.memory_space<semaphore_mem>>) src(%dma_wait3A_19 : memref<125x80xi32, #tpu.memory_space<hbm>>) dst(%arg8 : memref<125x80xi32, #tpu.memory_space<vmem>>)
      tpu.yield
    }) : () -> ()
    %scan3A = arith.constant 0 : i32
    %scan3A_1 = arith.constant 0 : i32
    %scan3A_2 = arith.constant 125 : i32
    %scan3A_3 = arith.addi %scan3A_1, %scan3A_2 : i32
    %scan3A_4 = arith.constant 1 : i32
    scf.for %scan3A_6 = %scan3A_1 to %scan3A_3 step %scan3A_4  : i32 {
      %dma_start3A = arith.constant 0 : i32
      %dma_start3A_7 = tpu.memref_slice %arg7[%scan3A_6, %dma_start3A] : memref<125x80xi32, #tpu.memory_space<vmem>> -> memref<1x80xi32, #tpu.memory_space<vmem>>
      %dma_start3A_8 = tpu.memref_squeeze %dma_start3A_7 : memref<1x80xi32, #tpu.memory_space<vmem>> -> memref<80xi32, #tpu.memory_space<vmem>>
      %dma_start3A_9 = arith.constant 0 : i32
      %dma_start3A_10 = arith.constant 0 : i32
      %dma_start3A_11 = tpu.memref_slice %arg2[%dma_start3A_9, %dma_start3A_10] : memref<10000x128xf32, #tpu.memory_space<hbm>> -> memref<10000x128xf32, #tpu.memory_space<hbm>>
      tpu.enqueue_indirect_dma source(%dma_start3A_11 : memref<10000x128xf32, #tpu.memory_space<hbm>>) target(%arg9 : memref<80x128xf32, #tpu.memory_space<vmem>>) offsets(%dma_start3A_8 : memref<80xi32, #tpu.memory_space<vmem>>) semaphore(%arg11 : memref<!tpu.dma_semaphore, #tpu.memory_space<semaphore_mem>>)
      %dma_start3A_12 = arith.constant 0 : i32
      %dma_start3A_13 = tpu.memref_slice %arg8[%scan3A_6, %dma_start3A_12] : memref<125x80xi32, #tpu.memory_space<vmem>> -> memref<1x80xi32, #tpu.memory_space<vmem>>
      %dma_start3A_14 = tpu.memref_squeeze %dma_start3A_13 : memref<1x80xi32, #tpu.memory_space<vmem>> -> memref<80xi32, #tpu.memory_space<vmem>>
      %dma_start3A_15 = arith.constant 0 : i32
      %dma_start3A_16 = arith.constant 0 : i32
      %dma_start3A_17 = tpu.memref_slice %arg3[%dma_start3A_15, %dma_start3A_16] : memref<10000x128xf32, #tpu.memory_space<hbm>> -> memref<10000x128xf32, #tpu.memory_space<hbm>>
      tpu.enqueue_indirect_dma source(%dma_start3A_17 : memref<10000x128xf32, #tpu.memory_space<hbm>>) target(%arg10 : memref<80x128xf32, #tpu.memory_space<vmem>>) offsets(%dma_start3A_14 : memref<80xi32, #tpu.memory_space<vmem>>) semaphore(%arg11 : memref<!tpu.dma_semaphore, #tpu.memory_space<semaphore_mem>>)
      %dma_wait3A = arith.constant 0 : i32
      %dma_wait3A_18 = tpu.memref_slice %arg7[%scan3A_6, %dma_wait3A] : memref<125x80xi32, #tpu.memory_space<vmem>> -> memref<1x80xi32, #tpu.memory_space<vmem>>
      %dma_wait3A_19 = tpu.memref_squeeze %dma_wait3A_18 : memref<1x80xi32, #tpu.memory_space<vmem>> -> memref<80xi32, #tpu.memory_space<vmem>>
      %dma_wait3A_20 = arith.constant 0 : i32
      %dma_wait3A_21 = arith.constant 0 : i32
      %dma_wait3A_22 = tpu.memref_slice %arg2[%dma_wait3A_20, %dma_wait3A_21] : memref<10000x128xf32, #tpu.memory_space<hbm>> -> memref<10000x128xf32, #tpu.memory_space<hbm>>
      tpu.wait_indirect_dma semaphore(%arg11 : memref<!tpu.dma_semaphore, #tpu.memory_space<semaphore_mem>>) src(%dma_wait3A_22 : memref<10000x128xf32, #tpu.memory_space<hbm>>) dst(%arg9 : memref<80x128xf32, #tpu.memory_space<vmem>>)
      %dma_wait3A_23 = arith.constant 0 : i32
      %dma_wait3A_24 = tpu.memref_slice %arg8[%scan3A_6, %dma_wait3A_23] : memref<125x80xi32, #tpu.memory_space<vmem>> -> memref<1x80xi32, #tpu.memory_space<vmem>>
      %dma_wait3A_25 = tpu.memref_squeeze %dma_wait3A_24 : memref<1x80xi32, #tpu.memory_space<vmem>> -> memref<80xi32, #tpu.memory_space<vmem>>
      %dma_wait3A_26 = arith.constant 0 : i32
      %dma_wait3A_27 = arith.constant 0 : i32
      %dma_wait3A_28 = tpu.memref_slice %arg3[%dma_wait3A_26, %dma_wait3A_27] : memref<10000x128xf32, #tpu.memory_space<hbm>> -> memref<10000x128xf32, #tpu.memory_space<hbm>>
      tpu.wait_indirect_dma semaphore(%arg11 : memref<!tpu.dma_semaphore, #tpu.memory_space<semaphore_mem>>) src(%dma_wait3A_28 : memref<10000x128xf32, #tpu.memory_space<hbm>>) dst(%arg10 : memref<80x128xf32, #tpu.memory_space<vmem>>)
      %scan3A_29 = arith.constant 0 : i32
      %scan3A_30 = arith.constant 0 : i32
      %scan3A_31 = arith.constant 80 : i32
      %scan3A_32 = arith.addi %scan3A_30, %scan3A_31 : i32
      %scan3A_33 = arith.constant 1 : i32
      scf.for %scan3A_40 = %scan3A_30 to %scan3A_32 step %scan3A_33  : i32 {
        %get3A = arith.index_cast %scan3A_40 : i32 to index
        %get3A_41 = arith.constant 0 : index
        %get3A_42 = tpu.vector_load %arg9[%get3A, %get3A_41] {strides = array<i32>} : memref<80x128xf32, #tpu.memory_space<vmem>>, vector<1x16xf32>,
        %get3A_43 = vector.shape_cast %get3A_42 : vector<1x16xf32> to vector<16xf32>
        %get3A_44 = arith.index_cast %scan3A_40 : i32 to index
        %get3A_45 = arith.constant 0 : index
        %get3A_46 = tpu.vector_load %arg10[%get3A_44, %get3A_45] {strides = array<i32>} : memref<80x128xf32, #tpu.memory_space<vmem>>, vector<1x16xf32>,
        %get3A_47 = vector.shape_cast %get3A_46 : vector<1x16xf32> to vector<16xf32>
        %add3A_48 = arith.addf %get3A_43, %get3A_47 : vector<16xf32>
        %swap3A = arith.index_cast %scan3A_40 : i32 to index
        %swap3A_49 = arith.constant 0 : index
        %swap3A_50 = tpu.vector_load %arg9[%swap3A, %swap3A_49] {strides = array<i32>} : memref<80x128xf32, #tpu.memory_space<vmem>>, vector<1x16xf32>,
        %swap3A_51 = vector.shape_cast %swap3A_50 : vector<1x16xf32> to vector<16xf32>
        %swap3A_52 = vector.shape_cast %add3A_48 : vector<16xf32> to vector<1x16xf32>
        tpu.vector_store %arg9[%swap3A, %swap3A_49], %swap3A_52 {strides = array<i32>} : memref<80x128xf32, #tpu.memory_space<vmem>>, vector<1x16xf32>,
        %get3A_53 = arith.index_cast %scan3A_40 : i32 to index
        %get3A_54 = arith.constant 16 : index
        %get3A_55 = tpu.vector_load %arg9[%get3A_53, %get3A_54] {strides = array<i32>} : memref<80x128xf32, #tpu.memory_space<vmem>>, vector<1x16xf32>,
        %get3A_56 = vector.shape_cast %get3A_55 : vector<1x16xf32> to vector<16xf32>
        %get3A_57 = arith.index_cast %scan3A_40 : i32 to index
        %get3A_58 = arith.constant 16 : index
        %get3A_59 = tpu.vector_load %arg10[%get3A_57, %get3A_58] {strides = array<i32>} : memref<80x128xf32, #tpu.memory_space<vmem>>, vector<1x16xf32>,
        %get3A_60 = vector.shape_cast %get3A_59 : vector<1x16xf32> to vector<16xf32>
        %add3A_61 = arith.addf %get3A_56, %get3A_60 : vector<16xf32>
        %swap3A_62 = arith.index_cast %scan3A_40 : i32 to index
        %swap3A_63 = arith.constant 16 : index
        %swap3A_64 = tpu.vector_load %arg9[%swap3A_62, %swap3A_63] {strides = array<i32>} : memref<80x128xf32, #tpu.memory_space<vmem>>, vector<1x16xf32>,
        %swap3A_65 = vector.shape_cast %swap3A_64 : vector<1x16xf32> to vector<16xf32>
        %swap3A_66 = vector.shape_cast %add3A_61 : vector<16xf32> to vector<1x16xf32>
        tpu.vector_store %arg9[%swap3A_62, %swap3A_63], %swap3A_66 {strides = array<i32>} : memref<80x128xf32, #tpu.memory_space<vmem>>, vector<1x16xf32>,
        %get3A_67 = arith.index_cast %scan3A_40 : i32 to index
        %get3A_68 = arith.constant 32 : index
        %get3A_69 = tpu.vector_load %arg9[%get3A_67, %get3A_68] {strides = array<i32>} : memref<80x128xf32, #tpu.memory_space<vmem>>, vector<1x16xf32>,
        %get3A_70 = vector.shape_cast %get3A_69 : vector<1x16xf32> to vector<16xf32>
        %get3A_71 = arith.index_cast %scan3A_40 : i32 to index
        %get3A_72 = arith.constant 32 : index
        %get3A_73 = tpu.vector_load %arg10[%get3A_71, %get3A_72] {strides = array<i32>} : memref<80x128xf32, #tpu.memory_space<vmem>>, vector<1x16xf32>,
        %get3A_74 = vector.shape_cast %get3A_73 : vector<1x16xf32> to vector<16xf32>
        %add3A_75 = arith.addf %get3A_70, %get3A_74 : vector<16xf32>
        %swap3A_76 = arith.index_cast %scan3A_40 : i32 to index
        %swap3A_77 = arith.constant 32 : index
        %swap3A_78 = tpu.vector_load %arg9[%swap3A_76, %swap3A_77] {strides = array<i32>} : memref<80x128xf32, #tpu.memory_space<vmem>>, vector<1x16xf32>,
        %swap3A_79 = vector.shape_cast %swap3A_78 : vector<1x16xf32> to vector<16xf32>
        %swap3A_80 = vector.shape_cast %add3A_75 : vector<16xf32> to vector<1x16xf32>
        tpu.vector_store %arg9[%swap3A_76, %swap3A_77], %swap3A_80 {strides = array<i32>} : memref<80x128xf32, #tpu.memory_space<vmem>>, vector<1x16xf32>,
        %get3A_81 = arith.index_cast %scan3A_40 : i32 to index
        %get3A_82 = arith.constant 48 : index
        %get3A_83 = tpu.vector_load %arg9[%get3A_81, %get3A_82] {strides = array<i32>} : memref<80x128xf32, #tpu.memory_space<vmem>>, vector<1x16xf32>,
        %get3A_84 = vector.shape_cast %get3A_83 : vector<1x16xf32> to vector<16xf32>
        %get3A_85 = arith.index_cast %scan3A_40 : i32 to index
        %get3A_86 = arith.constant 48 : index
        %get3A_87 = tpu.vector_load %arg10[%get3A_85, %get3A_86] {strides = array<i32>} : memref<80x128xf32, #tpu.memory_space<vmem>>, vector<1x16xf32>,
        %get3A_88 = vector.shape_cast %get3A_87 : vector<1x16xf32> to vector<16xf32>
        %add3A_89 = arith.addf %get3A_84, %get3A_88 : vector<16xf32>
        %swap3A_90 = arith.index_cast %scan3A_40 : i32 to index
        %swap3A_91 = arith.constant 48 : index
        %swap3A_92 = tpu.vector_load %arg9[%swap3A_90, %swap3A_91] {strides = array<i32>} : memref<80x128xf32, #tpu.memory_space<vmem>>, vector<1x16xf32>,
        %swap3A_93 = vector.shape_cast %swap3A_92 : vector<1x16xf32> to vector<16xf32>
        %swap3A_94 = vector.shape_cast %add3A_89 : vector<16xf32> to vector<1x16xf32>
        tpu.vector_store %arg9[%swap3A_90, %swap3A_91], %swap3A_94 {strides = array<i32>} : memref<80x128xf32, #tpu.memory_space<vmem>>, vector<1x16xf32>,
        %get3A_95 = arith.index_cast %scan3A_40 : i32 to index
        %get3A_96 = arith.constant 64 : index
        %get3A_97 = tpu.vector_load %arg9[%get3A_95, %get3A_96] {strides = array<i32>} : memref<80x128xf32, #tpu.memory_space<vmem>>, vector<1x16xf32>,
        %get3A_98 = vector.shape_cast %get3A_97 : vector<1x16xf32> to vector<16xf32>
        %get3A_99 = arith.index_cast %scan3A_40 : i32 to index
        %get3A_100 = arith.constant 64 : index
        %get3A_101 = tpu.vector_load %arg10[%get3A_99, %get3A_100] {strides = array<i32>} : memref<80x128xf32, #tpu.memory_space<vmem>>, vector<1x16xf32>,
        %get3A_102 = vector.shape_cast %get3A_101 : vector<1x16xf32> to vector<16xf32>
        %add3A_103 = arith.addf %get3A_98, %get3A_102 : vector<16xf32>
        %swap3A_104 = arith.index_cast %scan3A_40 : i32 to index
        %swap3A_105 = arith.constant 64 : index
        %swap3A_106 = tpu.vector_load %arg9[%swap3A_104, %swap3A_105] {strides = array<i32>} : memref<80x128xf32, #tpu.memory_space<vmem>>, vector<1x16xf32>,
        %swap3A_107 = vector.shape_cast %swap3A_106 : vector<1x16xf32> to vector<16xf32>
        %swap3A_108 = vector.shape_cast %add3A_103 : vector<16xf32> to vector<1x16xf32>
        tpu.vector_store %arg9[%swap3A_104, %swap3A_105], %swap3A_108 {strides = array<i32>} : memref<80x128xf32, #tpu.memory_space<vmem>>, vector<1x16xf32>,
        %get3A_109 = arith.index_cast %scan3A_40 : i32 to index
        %get3A_110 = arith.constant 80 : index
        %get3A_111 = tpu.vector_load %arg9[%get3A_109, %get3A_110] {strides = array<i32>} : memref<80x128xf32, #tpu.memory_space<vmem>>, vector<1x16xf32>,
        %get3A_112 = vector.shape_cast %get3A_111 : vector<1x16xf32> to vector<16xf32>
        %get3A_113 = arith.index_cast %scan3A_40 : i32 to index
        %get3A_114 = arith.constant 80 : index
        %get3A_115 = tpu.vector_load %arg10[%get3A_113, %get3A_114] {strides = array<i32>} : memref<80x128xf32, #tpu.memory_space<vmem>>, vector<1x16xf32>,
        %get3A_116 = vector.shape_cast %get3A_115 : vector<1x16xf32> to vector<16xf32>
        %add3A_117 = arith.addf %get3A_112, %get3A_116 : vector<16xf32>
        %swap3A_118 = arith.index_cast %scan3A_40 : i32 to index
        %swap3A_119 = arith.constant 80 : index
        %swap3A_120 = tpu.vector_load %arg9[%swap3A_118, %swap3A_119] {strides = array<i32>} : memref<80x128xf32, #tpu.memory_space<vmem>>, vector<1x16xf32>,
        %swap3A_121 = vector.shape_cast %swap3A_120 : vector<1x16xf32> to vector<16xf32>
        %swap3A_122 = vector.shape_cast %add3A_117 : vector<16xf32> to vector<1x16xf32>
        tpu.vector_store %arg9[%swap3A_118, %swap3A_119], %swap3A_122 {strides = array<i32>} : memref<80x128xf32, #tpu.memory_space<vmem>>, vector<1x16xf32>,
        %get3A_123 = arith.index_cast %scan3A_40 : i32 to index
        %get3A_124 = arith.constant 96 : index
        %get3A_125 = tpu.vector_load %arg9[%get3A_123, %get3A_124] {strides = array<i32>} : memref<80x128xf32, #tpu.memory_space<vmem>>, vector<1x16xf32>,
        %get3A_126 = vector.shape_cast %get3A_125 : vector<1x16xf32> to vector<16xf32>
        %get3A_127 = arith.index_cast %scan3A_40 : i32 to index
        %get3A_128 = arith.constant 96 : index
        %get3A_129 = tpu.vector_load %arg10[%get3A_127, %get3A_128] {strides = array<i32>} : memref<80x128xf32, #tpu.memory_space<vmem>>, vector<1x16xf32>,
        %get3A_130 = vector.shape_cast %get3A_129 : vector<1x16xf32> to vector<16xf32>
        %add3A_131 = arith.addf %get3A_126, %get3A_130 : vector<16xf32>
        %swap3A_132 = arith.index_cast %scan3A_40 : i32 to index
        %swap3A_133 = arith.constant 96 : index
        %swap3A_134 = tpu.vector_load %arg9[%swap3A_132, %swap3A_133] {strides = array<i32>} : memref<80x128xf32, #tpu.memory_space<vmem>>, vector<1x16xf32>,
        %swap3A_135 = vector.shape_cast %swap3A_134 : vector<1x16xf32> to vector<16xf32>
        %swap3A_136 = vector.shape_cast %add3A_131 : vector<16xf32> to vector<1x16xf32>
        tpu.vector_store %arg9[%swap3A_132, %swap3A_133], %swap3A_136 {strides = array<i32>} : memref<80x128xf32, #tpu.memory_space<vmem>>, vector<1x16xf32>,
        %get3A_137 = arith.index_cast %scan3A_40 : i32 to index
        %get3A_138 = arith.constant 112 : index
        %get3A_139 = tpu.vector_load %arg9[%get3A_137, %get3A_138] {strides = array<i32>} : memref<80x128xf32, #tpu.memory_space<vmem>>, vector<1x16xf32>,
        %get3A_140 = vector.shape_cast %get3A_139 : vector<1x16xf32> to vector<16xf32>
        %get3A_141 = arith.index_cast %scan3A_40 : i32 to index
        %get3A_142 = arith.constant 112 : index
        %get3A_143 = tpu.vector_load %arg10[%get3A_141, %get3A_142] {strides = array<i32>} : memref<80x128xf32, #tpu.memory_space<vmem>>, vector<1x16xf32>,
        %get3A_144 = vector.shape_cast %get3A_143 : vector<1x16xf32> to vector<16xf32>
        %add3A_145 = arith.addf %get3A_140, %get3A_144 : vector<16xf32>
        %swap3A_146 = arith.index_cast %scan3A_40 : i32 to index
        %swap3A_147 = arith.constant 112 : index
        %swap3A_148 = tpu.vector_load %arg9[%swap3A_146, %swap3A_147] {strides = array<i32>} : memref<80x128xf32, #tpu.memory_space<vmem>>, vector<1x16xf32>,
        %swap3A_149 = vector.shape_cast %swap3A_148 : vector<1x16xf32> to vector<16xf32>
        %swap3A_150 = vector.shape_cast %add3A_145 : vector<16xf32> to vector<1x16xf32>
        tpu.vector_store %arg9[%swap3A_146, %swap3A_147], %swap3A_150 {strides = array<i32>} : memref<80x128xf32, #tpu.memory_space<vmem>>, vector<1x16xf32>,
      }
      %scan3A_34 = arith.constant 80 : i32
      %mul3A_35 = arith.constant 10000 : i32
      %mul3A_36 = arith.muli %add3A, %mul3A_35 : i32
      %mul3A_37 = arith.constant 80 : i32
      %mul3A_38 = arith.muli %scan3A_6, %mul3A_37 : i32
      %add3A_39 = arith.addi %mul3A_36, %mul3A_38 : i32
      "tpu.region"() ({
        %run_scoped3A = tpu.sem_alloc : memref<!tpu.dma_semaphore, #tpu.memory_space<semaphore_mem>>
        %dma_start3A_40 = arith.constant 0 : i32
        %dma_start3A_41 = tpu.memref_slice %arg6[%add3A_39, %dma_start3A_40] : memref<320000x128xf32, #tpu.memory_space<hbm>> -> memref<80x128xf32, #tpu.memory_space<hbm>>
        %dma_start3A_42 = arith.constant 0 : i32
        %dma_start3A_43 = tpu.memref_slice %arg6[%add3A_39, %dma_start3A_42] : memref<320000x128xf32, #tpu.memory_space<hbm>> -> memref<80x128xf32, #tpu.memory_space<hbm>>
        tpu.enqueue_dma source(%arg9 : memref<80x128xf32, #tpu.memory_space<vmem>>) target(%dma_start3A_43 : memref<80x128xf32, #tpu.memory_space<hbm>>) target_semaphore(%run_scoped3A : memref<!tpu.dma_semaphore, #tpu.memory_space<semaphore_mem>>)
        %dma_wait3A_44 = arith.constant 0 : i32
        %dma_wait3A_45 = tpu.memref_slice %arg6[%add3A_39, %dma_wait3A_44] : memref<320000x128xf32, #tpu.memory_space<hbm>> -> memref<80x128xf32, #tpu.memory_space<hbm>>
        %dma_wait3A_46 = arith.constant 0 : i32
        %dma_wait3A_47 = tpu.memref_slice %arg6[%add3A_39, %dma_wait3A_46] : memref<320000x128xf32, #tpu.memory_space<hbm>> -> memref<80x128xf32, #tpu.memory_space<hbm>>
        tpu.wait_dma2 semaphore(%run_scoped3A : memref<!tpu.dma_semaphore, #tpu.memory_space<semaphore_mem>>) src(%arg9 : memref<80x128xf32, #tpu.memory_space<vmem>>) dst(%dma_wait3A_47 : memref<80x128xf32, #tpu.memory_space<hbm>>)
        tpu.yield
      }) : () -> ()
    }
    %scan3A_5 = arith.constant 125 : i32
    return
  }
}

#map = affine_map<(d0, d1) -> (0, 0)>
#map1 = affine_map<(d0, d1) -> (0, 0, 0)>
module attributes {stable_mosaic.version = 14 : i64} {
  func.func @_scatter_add(%arg0: i32, %arg1: i32, %arg2: memref<320000x128xf32, #tpu.memory_space<hbm>>, %arg3: memref<32x125x80xi32, #tpu.memory_space<hbm>>, %arg4: memref<2x10240x128xf32, #tpu.memory_space<hbm>>, %arg5: memref<125x80xi32, #tpu.memory_space<vmem>>, %arg6: memref<80x128xf32, #tpu.memory_space<vmem>>, %arg7: memref<80x128xf32, #tpu.memory_space<vmem>>, %arg8: memref<10240x128xf32, #tpu.memory_space<vmem_shared>>) attributes {dimension_semantics = [#tpu.dimension_semantics<core_parallel>, #tpu.dimension_semantics<subcore_parallel>], iteration_bounds = array<i64: 2, 16>, scalar_prefetch = 0 : i64, scratch_operands = 4 : i64, tpu.core_type = #tpu.core_type<sc_vector_subcore>, window_params = [{transform_indices = #map}, {transform_indices = #map1}, {transform_indices = #map1}]} {
    %mul3A = arith.constant 2 : i32
    %mul3A_0 = arith.muli %arg1, %mul3A : i32
    %add3A = arith.addi %mul3A_0, %arg0 : i32
    %scan3A = arith.constant 0 : i32
    %scan3A_1 = arith.constant 0 : i32
    %scan3A_2 = arith.constant 80 : i32
    %scan3A_3 = arith.addi %scan3A_1, %scan3A_2 : i32
    %scan3A_4 = arith.constant 1 : i32
    scf.for %scan3A_23 = %scan3A_1 to %scan3A_3 step %scan3A_4  : i32 {
      %broadcast_in_dim3A = arith.constant 0.000000e+00 : f32
      %broadcast_in_dim3A_24 = vector.broadcast %broadcast_in_dim3A : f32 to vector<16xf32>
      %swap3A = arith.index_cast %scan3A_23 : i32 to index
      %swap3A_25 = arith.constant 0 : index
      %swap3A_26 = tpu.vector_load %arg7[%swap3A, %swap3A_25] {strides = array<i32>} : memref<80x128xf32, #tpu.memory_space<vmem>>, vector<1x16xf32>,
      %swap3A_27 = vector.shape_cast %swap3A_26 : vector<1x16xf32> to vector<16xf32>
      %swap3A_28 = vector.shape_cast %broadcast_in_dim3A_24 : vector<16xf32> to vector<1x16xf32>
      tpu.vector_store %arg7[%swap3A, %swap3A_25], %swap3A_28 {strides = array<i32>} : memref<80x128xf32, #tpu.memory_space<vmem>>, vector<1x16xf32>,
      %broadcast_in_dim3A_29 = arith.constant 0.000000e+00 : f32
      %broadcast_in_dim3A_30 = vector.broadcast %broadcast_in_dim3A_29 : f32 to vector<16xf32>
      %swap3A_31 = arith.index_cast %scan3A_23 : i32 to index
      %swap3A_32 = arith.constant 16 : index
      %swap3A_33 = tpu.vector_load %arg7[%swap3A_31, %swap3A_32] {strides = array<i32>} : memref<80x128xf32, #tpu.memory_space<vmem>>, vector<1x16xf32>,
      %swap3A_34 = vector.shape_cast %swap3A_33 : vector<1x16xf32> to vector<16xf32>
      %swap3A_35 = vector.shape_cast %broadcast_in_dim3A_30 : vector<16xf32> to vector<1x16xf32>
      tpu.vector_store %arg7[%swap3A_31, %swap3A_32], %swap3A_35 {strides = array<i32>} : memref<80x128xf32, #tpu.memory_space<vmem>>, vector<1x16xf32>,
      %broadcast_in_dim3A_36 = arith.constant 0.000000e+00 : f32
      %broadcast_in_dim3A_37 = vector.broadcast %broadcast_in_dim3A_36 : f32 to vector<16xf32>
      %swap3A_38 = arith.index_cast %scan3A_23 : i32 to index
      %swap3A_39 = arith.constant 32 : index
      %swap3A_40 = tpu.vector_load %arg7[%swap3A_38, %swap3A_39] {strides = array<i32>} : memref<80x128xf32, #tpu.memory_space<vmem>>, vector<1x16xf32>,
      %swap3A_41 = vector.shape_cast %swap3A_40 : vector<1x16xf32> to vector<16xf32>
      %swap3A_42 = vector.shape_cast %broadcast_in_dim3A_37 : vector<16xf32> to vector<1x16xf32>
      tpu.vector_store %arg7[%swap3A_38, %swap3A_39], %swap3A_42 {strides = array<i32>} : memref<80x128xf32, #tpu.memory_space<vmem>>, vector<1x16xf32>,
      %broadcast_in_dim3A_43 = arith.constant 0.000000e+00 : f32
      %broadcast_in_dim3A_44 = vector.broadcast %broadcast_in_dim3A_43 : f32 to vector<16xf32>
      %swap3A_45 = arith.index_cast %scan3A_23 : i32 to index
      %swap3A_46 = arith.constant 48 : index
      %swap3A_47 = tpu.vector_load %arg7[%swap3A_45, %swap3A_46] {strides = array<i32>} : memref<80x128xf32, #tpu.memory_space<vmem>>, vector<1x16xf32>,
      %swap3A_48 = vector.shape_cast %swap3A_47 : vector<1x16xf32> to vector<16xf32>
      %swap3A_49 = vector.shape_cast %broadcast_in_dim3A_44 : vector<16xf32> to vector<1x16xf32>
      tpu.vector_store %arg7[%swap3A_45, %swap3A_46], %swap3A_49 {strides = array<i32>} : memref<80x128xf32, #tpu.memory_space<vmem>>, vector<1x16xf32>,
      %broadcast_in_dim3A_50 = arith.constant 0.000000e+00 : f32
      %broadcast_in_dim3A_51 = vector.broadcast %broadcast_in_dim3A_50 : f32 to vector<16xf32>
      %swap3A_52 = arith.index_cast %scan3A_23 : i32 to index
      %swap3A_53 = arith.constant 64 : index
      %swap3A_54 = tpu.vector_load %arg7[%swap3A_52, %swap3A_53] {strides = array<i32>} : memref<80x128xf32, #tpu.memory_space<vmem>>, vector<1x16xf32>,
      %swap3A_55 = vector.shape_cast %swap3A_54 : vector<1x16xf32> to vector<16xf32>
      %swap3A_56 = vector.shape_cast %broadcast_in_dim3A_51 : vector<16xf32> to vector<1x16xf32>
      tpu.vector_store %arg7[%swap3A_52, %swap3A_53], %swap3A_56 {strides = array<i32>} : memref<80x128xf32, #tpu.memory_space<vmem>>, vector<1x16xf32>,
      %broadcast_in_dim3A_57 = arith.constant 0.000000e+00 : f32
      %broadcast_in_dim3A_58 = vector.broadcast %broadcast_in_dim3A_57 : f32 to vector<16xf32>
      %swap3A_59 = arith.index_cast %scan3A_23 : i32 to index
      %swap3A_60 = arith.constant 80 : index
      %swap3A_61 = tpu.vector_load %arg7[%swap3A_59, %swap3A_60] {strides = array<i32>} : memref<80x128xf32, #tpu.memory_space<vmem>>, vector<1x16xf32>,
      %swap3A_62 = vector.shape_cast %swap3A_61 : vector<1x16xf32> to vector<16xf32>
      %swap3A_63 = vector.shape_cast %broadcast_in_dim3A_58 : vector<16xf32> to vector<1x16xf32>
      tpu.vector_store %arg7[%swap3A_59, %swap3A_60], %swap3A_63 {strides = array<i32>} : memref<80x128xf32, #tpu.memory_space<vmem>>, vector<1x16xf32>,
      %broadcast_in_dim3A_64 = arith.constant 0.000000e+00 : f32
      %broadcast_in_dim3A_65 = vector.broadcast %broadcast_in_dim3A_64 : f32 to vector<16xf32>
      %swap3A_66 = arith.index_cast %scan3A_23 : i32 to index
      %swap3A_67 = arith.constant 96 : index
      %swap3A_68 = tpu.vector_load %arg7[%swap3A_66, %swap3A_67] {strides = array<i32>} : memref<80x128xf32, #tpu.memory_space<vmem>>, vector<1x16xf32>,
      %swap3A_69 = vector.shape_cast %swap3A_68 : vector<1x16xf32> to vector<16xf32>
      %swap3A_70 = vector.shape_cast %broadcast_in_dim3A_65 : vector<16xf32> to vector<1x16xf32>
      tpu.vector_store %arg7[%swap3A_66, %swap3A_67], %swap3A_70 {strides = array<i32>} : memref<80x128xf32, #tpu.memory_space<vmem>>, vector<1x16xf32>,
      %broadcast_in_dim3A_71 = arith.constant 0.000000e+00 : f32
      %broadcast_in_dim3A_72 = vector.broadcast %broadcast_in_dim3A_71 : f32 to vector<16xf32>
      %swap3A_73 = arith.index_cast %scan3A_23 : i32 to index
      %swap3A_74 = arith.constant 112 : index
      %swap3A_75 = tpu.vector_load %arg7[%swap3A_73, %swap3A_74] {strides = array<i32>} : memref<80x128xf32, #tpu.memory_space<vmem>>, vector<1x16xf32>,
      %swap3A_76 = vector.shape_cast %swap3A_75 : vector<1x16xf32> to vector<16xf32>
      %swap3A_77 = vector.shape_cast %broadcast_in_dim3A_72 : vector<16xf32> to vector<1x16xf32>
      tpu.vector_store %arg7[%swap3A_73, %swap3A_74], %swap3A_77 {strides = array<i32>} : memref<80x128xf32, #tpu.memory_space<vmem>>, vector<1x16xf32>,
    }
    %scan3A_5 = arith.constant 80 : i32
    %scan3A_6 = arith.constant 0 : i32
    %scan3A_7 = arith.constant 0 : i32
    %scan3A_8 = arith.constant 8 : i32
    %scan3A_9 = arith.addi %scan3A_7, %scan3A_8 : i32
    %scan3A_10 = arith.constant 1 : i32
    scf.for %scan3A_23 = %scan3A_7 to %scan3A_9 step %scan3A_10  : i32 {
      %mul3A_24 = arith.constant 640 : i32
      %mul3A_25 = arith.muli %arg1, %mul3A_24 : i32
      %mul3A_26 = arith.constant 80 : i32
      %mul3A_27 = arith.muli %scan3A_23, %mul3A_26 : i32
      %add3A_28 = arith.addi %mul3A_25, %mul3A_27 : i32
      "tpu.region"() ({
        %run_scoped3A = tpu.sem_alloc : memref<!tpu.dma_semaphore, #tpu.memory_space<semaphore_mem>>
        %dma_start3A = arith.constant 0 : i32
        %dma_start3A_29 = tpu.memref_slice %arg8[%add3A_28, %dma_start3A] : memref<10240x128xf32, #tpu.memory_space<vmem_shared>> -> memref<80x128xf32, #tpu.memory_space<vmem_shared>>
        %dma_start3A_30 = arith.constant 0 : i32
        %dma_start3A_31 = tpu.memref_slice %arg8[%add3A_28, %dma_start3A_30] : memref<10240x128xf32, #tpu.memory_space<vmem_shared>> -> memref<80x128xf32, #tpu.memory_space<vmem_shared>>
        tpu.enqueue_dma source(%arg7 : memref<80x128xf32, #tpu.memory_space<vmem>>) target(%dma_start3A_31 : memref<80x128xf32, #tpu.memory_space<vmem_shared>>) target_semaphore(%run_scoped3A : memref<!tpu.dma_semaphore, #tpu.memory_space<semaphore_mem>>)
        %dma_wait3A = arith.constant 0 : i32
        %dma_wait3A_32 = tpu.memref_slice %arg8[%add3A_28, %dma_wait3A] : memref<10240x128xf32, #tpu.memory_space<vmem_shared>> -> memref<80x128xf32, #tpu.memory_space<vmem_shared>>
        %dma_wait3A_33 = arith.constant 0 : i32
        %dma_wait3A_34 = tpu.memref_slice %arg8[%add3A_28, %dma_wait3A_33] : memref<10240x128xf32, #tpu.memory_space<vmem_shared>> -> memref<80x128xf32, #tpu.memory_space<vmem_shared>>
        tpu.wait_dma2 semaphore(%run_scoped3A : memref<!tpu.dma_semaphore, #tpu.memory_space<semaphore_mem>>) src(%arg7 : memref<80x128xf32, #tpu.memory_space<vmem>>) dst(%dma_wait3A_34 : memref<80x128xf32, #tpu.memory_space<vmem_shared>>)
        tpu.yield
      }) : () -> ()
    }
    %scan3A_11 = arith.constant 8 : i32
    "tpu.region"() ({
      %run_scoped3A = tpu.sem_alloc : memref<!tpu.dma_semaphore, #tpu.memory_space<semaphore_mem>>
      %dma_start3A = arith.constant 0 : i32
      %dma_start3A_23 = arith.constant 0 : i32
      %dma_start3A_24 = tpu.memref_slice %arg3[%add3A, %dma_start3A, %dma_start3A_23] : memref<32x125x80xi32, #tpu.memory_space<hbm>> -> memref<1x125x80xi32, #tpu.memory_space<hbm>>
      %dma_start3A_25 = tpu.memref_squeeze %dma_start3A_24 : memref<1x125x80xi32, #tpu.memory_space<hbm>> -> memref<125x80xi32, #tpu.memory_space<hbm>>
      %dma_start3A_26 = arith.constant 0 : i32
      %dma_start3A_27 = arith.constant 0 : i32
      %dma_start3A_28 = tpu.memref_slice %arg3[%add3A, %dma_start3A_26, %dma_start3A_27] : memref<32x125x80xi32, #tpu.memory_space<hbm>> -> memref<1x125x80xi32, #tpu.memory_space<hbm>>
      %dma_start3A_29 = tpu.memref_squeeze %dma_start3A_28 : memref<1x125x80xi32, #tpu.memory_space<hbm>> -> memref<125x80xi32, #tpu.memory_space<hbm>>
      tpu.enqueue_dma source(%dma_start3A_29 : memref<125x80xi32, #tpu.memory_space<hbm>>) target(%arg5 : memref<125x80xi32, #tpu.memory_space<vmem>>) target_semaphore(%run_scoped3A : memref<!tpu.dma_semaphore, #tpu.memory_space<semaphore_mem>>)
      %dma_wait3A = arith.constant 0 : i32
      %dma_wait3A_30 = arith.constant 0 : i32
      %dma_wait3A_31 = tpu.memref_slice %arg3[%add3A, %dma_wait3A, %dma_wait3A_30] : memref<32x125x80xi32, #tpu.memory_space<hbm>> -> memref<1x125x80xi32, #tpu.memory_space<hbm>>
      %dma_wait3A_32 = tpu.memref_squeeze %dma_wait3A_31 : memref<1x125x80xi32, #tpu.memory_space<hbm>> -> memref<125x80xi32, #tpu.memory_space<hbm>>
      %dma_wait3A_33 = arith.constant 0 : i32
      %dma_wait3A_34 = arith.constant 0 : i32
      %dma_wait3A_35 = tpu.memref_slice %arg3[%add3A, %dma_wait3A_33, %dma_wait3A_34] : memref<32x125x80xi32, #tpu.memory_space<hbm>> -> memref<1x125x80xi32, #tpu.memory_space<hbm>>
      %dma_wait3A_36 = tpu.memref_squeeze %dma_wait3A_35 : memref<1x125x80xi32, #tpu.memory_space<hbm>> -> memref<125x80xi32, #tpu.memory_space<hbm>>
      tpu.wait_dma2 semaphore(%run_scoped3A : memref<!tpu.dma_semaphore, #tpu.memory_space<semaphore_mem>>) src(%dma_wait3A_36 : memref<125x80xi32, #tpu.memory_space<hbm>>) dst(%arg5 : memref<125x80xi32, #tpu.memory_space<vmem>>)
      tpu.yield
    }) : () -> ()
    %barrier3A = arith.constant 0 : index
    tpu.barrier barrier_id(%barrier3A)
    %scan3A_12 = arith.constant 0 : i32
    %scan3A_13 = arith.constant 0 : i32
    %scan3A_14 = arith.constant 125 : i32
    %scan3A_15 = arith.addi %scan3A_13, %scan3A_14 : i32
    %scan3A_16 = arith.constant 1 : i32
    scf.for %scan3A_23 = %scan3A_13 to %scan3A_15 step %scan3A_16  : i32 {
      %mul3A_24 = arith.constant 10000 : i32
      %mul3A_25 = arith.muli %add3A, %mul3A_24 : i32
      %mul3A_26 = arith.constant 80 : i32
      %mul3A_27 = arith.muli %scan3A_23, %mul3A_26 : i32
      %add3A_28 = arith.addi %mul3A_25, %mul3A_27 : i32
      "tpu.region"() ({
        %run_scoped3A = tpu.sem_alloc : memref<!tpu.dma_semaphore, #tpu.memory_space<semaphore_mem>>
        %dma_start3A = arith.constant 0 : i32
        %dma_start3A_29 = tpu.memref_slice %arg2[%add3A_28, %dma_start3A] : memref<320000x128xf32, #tpu.memory_space<hbm>> -> memref<80x128xf32, #tpu.memory_space<hbm>>
        %dma_start3A_30 = arith.constant 0 : i32
        %dma_start3A_31 = tpu.memref_slice %arg2[%add3A_28, %dma_start3A_30] : memref<320000x128xf32, #tpu.memory_space<hbm>> -> memref<80x128xf32, #tpu.memory_space<hbm>>
        tpu.enqueue_dma source(%dma_start3A_31 : memref<80x128xf32, #tpu.memory_space<hbm>>) target(%arg6 : memref<80x128xf32, #tpu.memory_space<vmem>>) target_semaphore(%run_scoped3A : memref<!tpu.dma_semaphore, #tpu.memory_space<semaphore_mem>>)
        %dma_wait3A = arith.constant 0 : i32
        %dma_wait3A_32 = tpu.memref_slice %arg2[%add3A_28, %dma_wait3A] : memref<320000x128xf32, #tpu.memory_space<hbm>> -> memref<80x128xf32, #tpu.memory_space<hbm>>
        %dma_wait3A_33 = arith.constant 0 : i32
        %dma_wait3A_34 = tpu.memref_slice %arg2[%add3A_28, %dma_wait3A_33] : memref<320000x128xf32, #tpu.memory_space<hbm>> -> memref<80x128xf32, #tpu.memory_space<hbm>>
        tpu.wait_dma2 semaphore(%run_scoped3A : memref<!tpu.dma_semaphore, #tpu.memory_space<semaphore_mem>>) src(%dma_wait3A_34 : memref<80x128xf32, #tpu.memory_space<hbm>>) dst(%arg6 : memref<80x128xf32, #tpu.memory_space<vmem>>)
        tpu.yield
      }) : () -> ()
      "tpu.region"() ({
        %run_scoped3A = tpu.sem_alloc : memref<!tpu.dma_semaphore, #tpu.memory_space<semaphore_mem>>
        %dma_start3A = arith.constant 0 : i32
        %dma_start3A_29 = tpu.memref_slice %arg5[%scan3A_23, %dma_start3A] : memref<125x80xi32, #tpu.memory_space<vmem>> -> memref<1x80xi32, #tpu.memory_space<vmem>>
        %dma_start3A_30 = tpu.memref_squeeze %dma_start3A_29 : memref<1x80xi32, #tpu.memory_space<vmem>> -> memref<80xi32, #tpu.memory_space<vmem>>
        %dma_start3A_31 = arith.constant 0 : i32
        %dma_start3A_32 = arith.constant 0 : i32
        %dma_start3A_33 = tpu.memref_slice %arg8[%dma_start3A_31, %dma_start3A_32] : memref<10240x128xf32, #tpu.memory_space<vmem_shared>> -> memref<10240x128xf32, #tpu.memory_space<vmem_shared>>
        tpu.enqueue_indirect_dma source(%arg6 : memref<80x128xf32, #tpu.memory_space<vmem>>) target(%dma_start3A_33 : memref<10240x128xf32, #tpu.memory_space<vmem_shared>>) offsets(%dma_start3A_30 : memref<80xi32, #tpu.memory_space<vmem>>) semaphore(%run_scoped3A : memref<!tpu.dma_semaphore, #tpu.memory_space<semaphore_mem>>) {add = true}
        %dma_wait3A = arith.constant 0 : i32
        %dma_wait3A_34 = tpu.memref_slice %arg5[%scan3A_23, %dma_wait3A] : memref<125x80xi32, #tpu.memory_space<vmem>> -> memref<1x80xi32, #tpu.memory_space<vmem>>
        %dma_wait3A_35 = tpu.memref_squeeze %dma_wait3A_34 : memref<1x80xi32, #tpu.memory_space<vmem>> -> memref<80xi32, #tpu.memory_space<vmem>>
        %dma_wait3A_36 = arith.constant 0 : i32
        %dma_wait3A_37 = arith.constant 0 : i32
        %dma_wait3A_38 = tpu.memref_slice %arg8[%dma_wait3A_36, %dma_wait3A_37] : memref<10240x128xf32, #tpu.memory_space<vmem_shared>> -> memref<10240x128xf32, #tpu.memory_space<vmem_shared>>
        tpu.wait_indirect_dma semaphore(%run_scoped3A : memref<!tpu.dma_semaphore, #tpu.memory_space<semaphore_mem>>) src(%arg6 : memref<80x128xf32, #tpu.memory_space<vmem>>) dst(%dma_wait3A_38 : memref<10240x128xf32, #tpu.memory_space<vmem_shared>>)
        tpu.yield
      }) : () -> ()
    }
    %scan3A_17 = arith.constant 125 : i32
    %barrier3A_18 = arith.constant 0 : index
    tpu.barrier barrier_id(%barrier3A_18)
    %mul3A_19 = arith.constant 640 : i32
    %mul3A_20 = arith.muli %arg1, %mul3A_19 : i32
    %mul3A_21 = arith.constant 640 : i32
    %mul3A_22 = arith.muli %arg1, %mul3A_21 : i32
    "tpu.region"() ({
      %run_scoped3A = tpu.sem_alloc : memref<!tpu.dma_semaphore, #tpu.memory_space<semaphore_mem>>
      %dma_start3A = arith.constant 0 : i32
      %dma_start3A_23 = tpu.memref_slice %arg4[%arg0, %mul3A_22, %dma_start3A] : memref<2x10240x128xf32, #tpu.memory_space<hbm>> -> memref<1x640x128xf32, #tpu.memory_space<hbm>>
      %dma_start3A_24 = tpu.memref_squeeze %dma_start3A_23 : memref<1x640x128xf32, #tpu.memory_space<hbm>> -> memref<640x128xf32, #tpu.memory_space<hbm>>
      %dma_start3A_25 = arith.constant 0 : i32
      %dma_start3A_26 = tpu.memref_slice %arg8[%mul3A_20, %dma_start3A_25] : memref<10240x128xf32, #tpu.memory_space<vmem_shared>> -> memref<640x128xf32, #tpu.memory_space<vmem_shared>>
      tpu.enqueue_dma source(%dma_start3A_26 : memref<640x128xf32, #tpu.memory_space<vmem_shared>>) target(%dma_start3A_24 : memref<640x128xf32, #tpu.memory_space<hbm>>) target_semaphore(%run_scoped3A : memref<!tpu.dma_semaphore, #tpu.memory_space<semaphore_mem>>)
      %dma_wait3A = arith.constant 0 : i32
      %dma_wait3A_27 = tpu.memref_slice %arg4[%arg0, %mul3A_22, %dma_wait3A] : memref<2x10240x128xf32, #tpu.memory_space<hbm>> -> memref<1x640x128xf32, #tpu.memory_space<hbm>>
      %dma_wait3A_28 = tpu.memref_squeeze %dma_wait3A_27 : memref<1x640x128xf32, #tpu.memory_space<hbm>> -> memref<640x128xf32, #tpu.memory_space<hbm>>
      %dma_wait3A_29 = arith.constant 0 : i32
      %dma_wait3A_30 = tpu.memref_slice %arg8[%mul3A_20, %dma_wait3A_29] : memref<10240x128xf32, #tpu.memory_space<vmem_shared>> -> memref<640x128xf32, #tpu.memory_space<vmem_shared>>
      tpu.wait_dma2 semaphore(%run_scoped3A : memref<!tpu.dma_semaphore, #tpu.memory_space<semaphore_mem>>) src(%dma_wait3A_30 : memref<640x128xf32, #tpu.memory_space<vmem_shared>>) dst(%dma_wait3A_28 : memref<640x128xf32, #tpu.memory_space<hbm>>)
      tpu.yield
    }) : () -> ()
    return
  }
}

module attributes {stable_mosaic.version = 14 : i64} {
  func.func @_weights_body(%arg0: memref<128x128xf32, #tpu.memory_space<vmem>>, %arg1: memref<128x64xf32, #tpu.memory_space<vmem>>, %arg2: memref<128x128xf32, #tpu.memory_space<vmem>>, %arg3: memref<128x64xf32, #tpu.memory_space<vmem>>, %arg4: memref<128x128xf32, #tpu.memory_space<vmem>>) attributes {dimension_semantics = [], scalar_prefetch = 0 : i64, scratch_operands = 0 : i64, tpu.core_type = #tpu.core_type<tc>} {
    %get3A = arith.constant 0 : index
    %get3A_0 = arith.constant 0 : index
    %get3A_1 = vector.load %arg0[%get3A, %get3A_0] : memref<128x128xf32, #tpu.memory_space<vmem>>, vector<128x128xf32>
    %get3A_2 = arith.constant 0 : index
    %get3A_3 = arith.constant 0 : index
    %get3A_4 = vector.load %arg1[%get3A_2, %get3A_3] : memref<128x64xf32, #tpu.memory_space<vmem>>, vector<128x64xf32>
    %dot_general3A = arith.constant dense<0.000000e+00> : vector<128x64xf32>
    %dot_general3A_5 = tpu.matmul %get3A_1, %get3A_4, %dot_general3A {dimension_numbers = #tpu.dot_dimension_numbers<[1], [0], [0], [1], [0, 0, 1, 1], [], []>, transpose_lhs_hint = false} : vector<128x128xf32>, vector<128x64xf32>, vector<128x64xf32> -> vector<128x64xf32>
    %swap3A = arith.constant 0 : index
    %swap3A_6 = arith.constant 0 : index
    %swap3A_7 = vector.load %arg3[%swap3A, %swap3A_6] : memref<128x64xf32, #tpu.memory_space<vmem>>, vector<128x64xf32>
    tpu.vector_store %arg3[%swap3A, %swap3A_6], %dot_general3A_5 {strides = array<i32>} : memref<128x64xf32, #tpu.memory_space<vmem>>, vector<128x64xf32>,
    %get3A_8 = arith.constant 0 : index
    %get3A_9 = arith.constant 0 : index
    %get3A_10 = vector.load %arg2[%get3A_8, %get3A_9] : memref<128x128xf32, #tpu.memory_space<vmem>>, vector<128x128xf32>
    %dot_general3A_11 = arith.constant dense<0.000000e+00> : vector<128x128xf32>
    %dot_general3A_12 = tpu.matmul %get3A_1, %get3A_10, %dot_general3A_11 {dimension_numbers = #tpu.dot_dimension_numbers<[1], [0], [0], [1], [0, 0, 1, 1], [], []>, transpose_lhs_hint = false} : vector<128x128xf32>, vector<128x128xf32>, vector<128x128xf32> -> vector<128x128xf32>
    %swap3A_13 = arith.constant 0 : index
    %swap3A_14 = arith.constant 0 : index
    %swap3A_15 = vector.load %arg4[%swap3A_13, %swap3A_14] : memref<128x128xf32, #tpu.memory_space<vmem>>, vector<128x128xf32>
    tpu.vector_store %arg4[%swap3A_13, %swap3A_14], %dot_general3A_12 {strides = array<i32>} : memref<128x128xf32, #tpu.memory_space<vmem>>, vector<128x128xf32>,
    return
  }
}

module attributes {stable_mosaic.version = 14 : i64} {
  func.func @_edge_body(%arg0: i32, %arg1: memref<4000x128xf32, #tpu.memory_space<vmem>>, %arg2: memref<4000x128xf32, #tpu.memory_space<vmem>>, %arg3: memref<128x64xf32, #tpu.memory_space<vmem>>, %arg4: memref<64x1xf32, #tpu.memory_space<vmem>>, %arg5: memref<1x1xf32, #tpu.memory_space<vmem>>, %arg6: memref<4000x1xf32, #tpu.memory_space<vmem>>, %arg7: memref<4000x128xf32, #tpu.memory_space<vmem>>) attributes {dimension_semantics = [#tpu.dimension_semantics<arbitrary>], iteration_bounds = array<i64: 80>, scalar_prefetch = 0 : i64, scratch_operands = 0 : i64, tpu.core_type = #tpu.core_type<tc>, window_params = [{transform_indices = @transform_0, window_bounds = array<i64: 4000, 128>}, {transform_indices = @transform_1, window_bounds = array<i64: 4000, 128>}, {pipeline_mode = #tpu.pipeline_mode<synchronous>, transform_indices = @transform_2, window_bounds = array<i64: 128, 64>}, {pipeline_mode = #tpu.pipeline_mode<synchronous>, transform_indices = @transform_3, window_bounds = array<i64: 64, 1>}, {pipeline_mode = #tpu.pipeline_mode<synchronous>, transform_indices = @transform_4, window_bounds = array<i64: 1, 1>}, {transform_indices = @transform_5, window_bounds = array<i64: 4000, 1>}, {transform_indices = @transform_6, window_bounds = array<i64: 4000, 128>}]} {
    %get3A = arith.constant 0 : index
    %get3A_0 = arith.constant 0 : index
    %get3A_1 = vector.load %arg1[%get3A, %get3A_0] : memref<4000x128xf32, #tpu.memory_space<vmem>>, vector<4000x128xf32>
    %get3A_2 = arith.constant 0 : index
    %get3A_3 = arith.constant 0 : index
    %get3A_4 = vector.load %arg2[%get3A_2, %get3A_3] : memref<4000x128xf32, #tpu.memory_space<vmem>>, vector<4000x128xf32>
    %add3A = arith.addf %get3A_1, %get3A_4 : vector<4000x128xf32>
    %get3A_5 = arith.constant 0 : index
    %get3A_6 = arith.constant 0 : index
    %get3A_7 = vector.load %arg3[%get3A_5, %get3A_6] : memref<128x64xf32, #tpu.memory_space<vmem>>, vector<128x64xf32>
    %dot_general3A = arith.constant dense<0.000000e+00> : vector<4000x64xf32>
    %dot_general3A_8 = tpu.matmul %add3A, %get3A_7, %dot_general3A {dimension_numbers = #tpu.dot_dimension_numbers<[1], [0], [0], [1], [0, 0, 1, 1], [], []>, transpose_lhs_hint = false} : vector<4000x128xf32>, vector<128x64xf32>, vector<4000x64xf32> -> vector<4000x64xf32>
    %max3A = arith.constant 0.000000e+00 : f32
    %max3A_9 = vector.broadcast %max3A : f32 to vector<4000x64xf32>
    %max3A_10 = arith.maximumf %dot_general3A_8, %max3A_9 : vector<4000x64xf32>
    %get3A_11 = arith.constant 0 : index
    %get3A_12 = arith.constant 0 : index
    %get3A_13 = vector.load %arg4[%get3A_11, %get3A_12] : memref<64x1xf32, #tpu.memory_space<vmem>>, vector<64x1xf32>
    %dot_general3A_14 = arith.constant dense<0.000000e+00> : vector<4000x1xf32>
    %dot_general3A_15 = tpu.matmul %max3A_10, %get3A_13, %dot_general3A_14 {dimension_numbers = #tpu.dot_dimension_numbers<[1], [0], [0], [1], [0, 0, 1, 1], [], []>, transpose_lhs_hint = false} : vector<4000x64xf32>, vector<64x1xf32>, vector<4000x1xf32> -> vector<4000x1xf32>
    %get3A_16 = arith.constant 0 : index
    %get3A_17 = arith.constant 0 : index
    %get3A_18 = vector.load %arg5[%get3A_16, %get3A_17] : memref<1x1xf32, #tpu.memory_space<vmem>>, vector<1x1xf32>
    %get3A_19 = vector.extract %get3A_18[0, 0] : f32 from vector<1x1xf32>
    %add3A_20 = vector.broadcast %get3A_19 : f32 to vector<4000x1xf32>
    %add3A_21 = arith.addf %dot_general3A_15, %add3A_20 : vector<4000x1xf32>
    %neg3A = arith.constant 0.000000e+00 : f32
    %neg3A_22 = vector.broadcast %neg3A : f32 to vector<4000x1xf32>
    %neg3A_23 = arith.subf %neg3A_22, %add3A_21 : vector<4000x1xf32>
    %exp3A = math.exp %neg3A_23 : vector<4000x1xf32>
    %add3A_24 = arith.constant 1.000000e+00 : f32
    %add3A_25 = vector.broadcast %add3A_24 : f32 to vector<4000x1xf32>
    %add3A_26 = arith.addf %add3A_25, %exp3A : vector<4000x1xf32>
    %div3A = arith.constant 1.000000e+00 : f32
    %div3A_27 = vector.broadcast %div3A : f32 to vector<4000x1xf32>
    %div3A_28 = arith.divf %div3A_27, %add3A_26 : vector<4000x1xf32>
    %swap3A = arith.constant 0 : index
    %swap3A_29 = arith.constant 0 : index
    %swap3A_30 = vector.load %arg6[%swap3A, %swap3A_29] : memref<4000x1xf32, #tpu.memory_space<vmem>>, vector<4000x1xf32>
    tpu.vector_store %arg6[%swap3A, %swap3A_29], %div3A_28 {strides = array<i32>} : memref<4000x1xf32, #tpu.memory_space<vmem>>, vector<4000x1xf32>,
    %mul3A = vector.broadcast %div3A_28 : vector<4000x1xf32> to vector<4000x128xf32>
    %mul3A_31 = arith.mulf %add3A, %mul3A : vector<4000x128xf32>
    %swap3A_32 = arith.constant 0 : index
    %swap3A_33 = arith.constant 0 : index
    %swap3A_34 = vector.load %arg7[%swap3A_32, %swap3A_33] : memref<4000x128xf32, #tpu.memory_space<vmem>>, vector<4000x128xf32>
    tpu.vector_store %arg7[%swap3A_32, %swap3A_33], %mul3A_31 {strides = array<i32>} : memref<4000x128xf32, #tpu.memory_space<vmem>>, vector<4000x128xf32>,
    return
  }
  func.func @transform_0(%arg0: i32) -> (i32, i32) {
    %c0_i32 = arith.constant 0 : i32
    %c0_i32_0 = arith.constant 0 : i32
    return %arg0, %c0_i32 : i32, i32
  }
  func.func @transform_1(%arg0: i32) -> (i32, i32) {
    %c0_i32 = arith.constant 0 : i32
    %c0_i32_0 = arith.constant 0 : i32
    return %arg0, %c0_i32 : i32, i32
  }
  func.func @transform_2(%arg0: i32) -> (i32, i32) {
    %c0_i32 = arith.constant 0 : i32
    %c0_i32_0 = arith.constant 0 : i32
    %c0_i32_1 = arith.constant 0 : i32
    return %c0_i32, %c0_i32_0 : i32, i32
  }
  func.func @transform_3(%arg0: i32) -> (i32, i32) {
    %c0_i32 = arith.constant 0 : i32
    %c0_i32_0 = arith.constant 0 : i32
    %c0_i32_1 = arith.constant 0 : i32
    return %c0_i32, %c0_i32_0 : i32, i32
  }
  func.func @transform_4(%arg0: i32) -> (i32, i32) {
    %c0_i32 = arith.constant 0 : i32
    %c0_i32_0 = arith.constant 0 : i32
    %c0_i32_1 = arith.constant 0 : i32
    return %c0_i32, %c0_i32_0 : i32, i32
  }
  func.func @transform_5(%arg0: i32) -> (i32, i32) {
    %c0_i32 = arith.constant 0 : i32
    %c0_i32_0 = arith.constant 0 : i32
    return %arg0, %c0_i32 : i32, i32
  }
  func.func @transform_6(%arg0: i32) -> (i32, i32) {
    %c0_i32 = arith.constant 0 : i32
    %c0_i32_0 = arith.constant 0 : i32
    return %arg0, %c0_i32 : i32, i32
  }
}

module attributes {stable_mosaic.version = 14 : i64} {
  func.func @_final_body(%arg0: i32, %arg1: memref<2x1000x128xf32, #tpu.memory_space<vmem>>, %arg2: memref<128x128xf32, #tpu.memory_space<vmem>>, %arg3: memref<1000x128xf32, #tpu.memory_space<vmem>>) attributes {dimension_semantics = [#tpu.dimension_semantics<arbitrary>], iteration_bounds = array<i64: 10>, scalar_prefetch = 0 : i64, scratch_operands = 0 : i64, tpu.core_type = #tpu.core_type<tc>, window_params = [{transform_indices = @transform_0, window_bounds = array<i64: 2, 1000, 128>}, {pipeline_mode = #tpu.pipeline_mode<synchronous>, transform_indices = @transform_1, window_bounds = array<i64: 128, 128>}, {transform_indices = @transform_2, window_bounds = array<i64: 1000, 128>}]} {
    %get3A = arith.constant 0 : index
    %get3A_0 = arith.constant 0 : index
    %get3A_1 = arith.constant 0 : index
    %get3A_2 = vector.load %arg1[%get3A, %get3A_0, %get3A_1] : memref<2x1000x128xf32, #tpu.memory_space<vmem>>, vector<1x1000x128xf32>
    %get3A_3 = vector.shape_cast %get3A_2 : vector<1x1000x128xf32> to vector<1000x128xf32>
    %get3A_4 = arith.constant 1 : index
    %get3A_5 = arith.constant 0 : index
    %get3A_6 = arith.constant 0 : index
    %get3A_7 = vector.load %arg1[%get3A_4, %get3A_5, %get3A_6] : memref<2x1000x128xf32, #tpu.memory_space<vmem>>, vector<1x1000x128xf32>
    %get3A_8 = vector.shape_cast %get3A_7 : vector<1x1000x128xf32> to vector<1000x128xf32>
    %add3A = arith.addf %get3A_3, %get3A_8 : vector<1000x128xf32>
    %get3A_9 = arith.constant 0 : index
    %get3A_10 = arith.constant 0 : index
    %get3A_11 = vector.load %arg2[%get3A_9, %get3A_10] : memref<128x128xf32, #tpu.memory_space<vmem>>, vector<128x128xf32>
    %dot_general3A = arith.constant dense<0.000000e+00> : vector<1000x128xf32>
    %dot_general3A_12 = tpu.matmul %add3A, %get3A_11, %dot_general3A {dimension_numbers = #tpu.dot_dimension_numbers<[1], [0], [0], [1], [0, 0, 1, 1], [], []>, transpose_lhs_hint = false} : vector<1000x128xf32>, vector<128x128xf32>, vector<1000x128xf32> -> vector<1000x128xf32>
    %swap3A = arith.constant 0 : index
    %swap3A_13 = arith.constant 0 : index
    %swap3A_14 = vector.load %arg3[%swap3A, %swap3A_13] : memref<1000x128xf32, #tpu.memory_space<vmem>>, vector<1000x128xf32>
    tpu.vector_store %arg3[%swap3A, %swap3A_13], %dot_general3A_12 {strides = array<i32>} : memref<1000x128xf32, #tpu.memory_space<vmem>>, vector<1000x128xf32>,
    return
  }
  func.func @transform_0(%arg0: i32) -> (i32, i32, i32) {
    %c0_i32 = arith.constant 0 : i32
    %c0_i32_0 = arith.constant 0 : i32
    %c0_i32_1 = arith.constant 0 : i32
    return %c0_i32, %arg0, %c0_i32_0 : i32, i32, i32
  }
  func.func @transform_1(%arg0: i32) -> (i32, i32) {
    %c0_i32 = arith.constant 0 : i32
    %c0_i32_0 = arith.constant 0 : i32
    %c0_i32_1 = arith.constant 0 : i32
    return %c0_i32, %c0_i32_0 : i32, i32
  }
  func.func @transform_2(%arg0: i32) -> (i32, i32) {
    %c0_i32 = arith.constant 0 : i32
    %c0_i32_0 = arith.constant 0 : i32
    return %arg0, %c0_i32 : i32, i32
  }
}

</mosaic_0001>

<sc_bundles>
// kernel: kernel.10.cloned.1.call-start
scs
__scs_entry_jumppad:
0x0: {  	(pc) =	sbr.rel $0x88, $3  }
0x1: {  	(tag) =	ssettag $0x0;
	lr =	simm.s32 $0x1  }
0x2: {  	[smem:$0x3F98] =	sst lr;
	_ =	strace $0xD0000000  }
0x3: {  	_ = 	snop  }
0x4: {  	_ = 	snop  }
0x5: {  	_ = 	snop  }
0x6: {  	_ = 	snop  }
0x7: {  	_ = 	snop  }
__scs_overlays_trampoline_lowered:
0x8: {  	[smem:$0x3FA7] =	sst s0  }
0x9: {  	[smem:$0x3FA8] =	sst s1  }
0xa: {  	[smem:$0x3FA9] =	sst s2  }
0xb: {  	[smem:$0x3FAA] =	sst s3  }
0xc: {  	[smem:$0x3FAB] =	sst s4  }
0xd: {  	[smem:$0x3FAC] =	sst s5  }
0xe: {  	[smem:$0x3FAD] =	sst s6  }
0xf: {  	[smem:$0x3FAE] =	sst s7  }
0x10: {  	[smem:$0x3FAF] =	sst s8  }
0x11: {  	[smem:$0x3FB0] =	sst s9;
	s0 =	simm.s32 @!p0 $0x0  }
0x12: {  	s1 =	sld [smem:$0x3F96];
	s0 =	simm.s32 @p0 $0x1  }
0x13: {  	[smem:$0x3FB1] =	sst s0;
	s0 =	simm.s32 @!p1 $0x0  }
0x14: {  	s2 =	sld [smem:$0x3F95];
	s0 =	simm.s32 @p1 $0x1  }
0x15: {  	[smem:$0x3FB2] =	sst s0;
	s0 =	simm.s32 @!p2 $0x0  }
0x16: {  	s3 =	sld [smem:$0x3FDB];
	s0 =	simm.s32 @p2 $0x1  }
0x17: {  	s4 =	simm.s32 $0x1BF5;
	[smem:$0x3FB4] =	sst s0  }
0x18: {  	s0 =	sld [smem:$0x3F97];
	_ =	swait.ge [sflag:s4], $0x0  }
0x19: {  	s7 =	sld [smem:$0x3F98]  }
0x1a: {  	s8 =	sadd.s32 $0xFFFFE003, lr  }
0x1b: {  	s9 =	sadd.s32 $0xFFFFFEF7, lr;
	s5 =	simm.s32 $0xFFFFFFFF;
	p2 =	slt.u32 s8, $0xFFFFF086  }
0x1c: {  	p1 =	slt.u32 s9, $0xF7A;
	s5 =	simm.s32 @!p2 $0x0  }
0x1d: {  	s5 =	simm.s32 @p1 $0x1;
	p0 =	seq.s32 s7, s2  }
0x1e: {  	s7 =	smul.u32 @!p0 $0xF7A, s2;
	p2 =	seq.s32 @!p0 s5, $0x0  }
0x1f: {  	s9 =	smul.u32 $0xF7A, s1;
	s8 =	simm.s32 @!p0 $0x1BF5;
	p2 =	por !p2, p0  }
0x20: {  	[sflag:s8] =	ssyncset.s32 @!p0 $0xFFFFF086;
	s6 =	sadd.s32 @!p0 s3, s7;
	s7 =	simm.s32 @!p0 $0x108  }
0x21: {  	s3 =	sadd.s32 s3, s9;
	s6 =	sadd.s32 @!p0 $0x88, s6;
	s7 =	simm.s32 @p2 $0x1082  }
0x22: {  	[simem:s7], [sflag:s8] =	dma.local @!p0 [hbm:s6], $0xF7A  }
0x23: {  	s9 =	sor.u32 $0xD0000000, s2;
	s6 =	simm.s32 $0x108;
	_ =	swait.ge @!p0 [sflag:s8], $0x0  }
0x24: {  	s3 =	sadd.s32 $0x88, s3;
	s6 =	simm.s32 @!p1 $0x1082;
	[sflag:s4] =	ssyncset.s32 $0xFFFFF086  }
0x25: {  	[simem:s6], [sflag:s4] =	dma.local [hbm:s3], $0xF7A  }
0x26: {  	[smem:$0x3F98] =	sst s1;
	(tag) =	ssettag s2;
	_ =	strace s9  }
0x27: {  	s1 =	sld [smem:$0x3FA8]  }
0x28: {  	s2 =	sld [smem:$0x3FA9]  }
0x29: {  	s4 =	sld [smem:$0x3FAB]  }
0x2a: {  	p0 =	seq.s32 s5, $0x0;
	s5 =	sld [smem:$0x3FAC]  }
0x2b: {  	s6 =	sld [smem:$0x3FAD]  }
0x2c: {  	s7 =	sld [smem:$0x3FAE]  }
0x2d: {  	s3 =	simm.s32 $0x108;
	s8 =	sld [smem:$0x3FAF]  }
0x2e: {  	s3 =	simm.s32 @!p0 $0x1082;
	s9 =	sld [smem:$0x3FB0]  }
0x2f: {  	lr =	sadd.s32 s0, s3;
	s0 =	sld [smem:$0x3FA7]  }
0x30: {  	s3 =	sld [smem:$0x3FAA]  }
0x31: {  	[smem:$0x3FB3] =	sst s10  }
0x32: {  	s10 =	sld [smem:$0x3FB1];
	_ =	sdelay $0x3  }
0x33: {  	p0 =	seq.s32 s10, $0x1;
	s10 =	sld [smem:$0x3FB3];
	_ =	sdelay $0x3  }
0x34: {  	[smem:$0x3FB3] =	sst s10  }
0x35: {  	s10 =	sld [smem:$0x3FB2];
	_ =	sdelay $0x3  }
0x36: {  	p1 =	seq.s32 s10, $0x1;
	s10 =	sld [smem:$0x3FB3];
	_ =	sdelay $0x3  }
0x37: {  	[smem:$0x3FB3] =	sst s10  }
0x38: {  	s10 =	sld [smem:$0x3FB4]  }
0x39: {  	_ = 	snop;
	(pc) =	sbr.ind lr, $3  }
0x3a: {  	_ = 	snop  }
0x3b: {  	_ = 	snop  }
0x3c: {  	p2 =	seq.s32 s10, $0x1;
	s10 =	sld [smem:$0x3FB3]  }
0x3d: {  	_ =	shalt  }
0x3e: {  	_ =	shalt  }
0x3f: {  	_ =	shalt  }
0x40: {  	_ =	shalt  }
0x41: {  	_ =	shalt  }
0x42: {  	_ =	shalt  }
0x43: {  	_ =	shalt  }
0x44: {  	_ =	shalt  }
0x45: {  	_ =	shalt  }
0x46: {  	_ =	shalt  }
0x47: {  	_ =	shalt  }
0x48: {  	_ =	shalt  }
0x49: {  	_ =	shalt  }
0x4a: {  	_ =	shalt  }
0x4b: {  	_ =	shalt  }
0x4c: {  	_ =	shalt  }
0x4d: {  	_ =	shalt  }
0x4e: {  	_ =	shalt  }
0x4f: {  	_ =	shalt  }
0x50: {  	_ =	shalt  }
0x51: {  	_ =	shalt  }
0x52: {  	_ =	shalt  }
0x53: {  	_ =	shalt  }
0x54: {  	_ =	shalt  }
0x55: {  	_ =	shalt  }
0x56: {  	_ =	shalt  }
0x57: {  	_ =	shalt  }
0x58: {  	_ =	shalt  }
0x59: {  	_ =	shalt  }
0x5a: {  	_ =	shalt  }
0x5b: {  	_ =	shalt  }
0x5c: {  	_ =	shalt  }
0x5d: {  	_ =	shalt  }
0x5e: {  	_ =	shalt  }
0x5f: {  	_ =	shalt  }
0x60: {  	_ =	shalt  }
0x61: {  	_ =	shalt  }
0x62: {  	_ =	shalt  }
0x63: {  	_ =	shalt  }
0x64: {  	_ =	shalt  }
0x65: {  	_ =	shalt  }
0x66: {  	_ =	shalt  }
0x67: {  	_ =	shalt  }
0x68: {  	_ =	shalt  }
0x69: {  	_ =	shalt  }
0x6a: {  	_ =	shalt  }
0x6b: {  	_ =	shalt  }
0x6c: {  	_ =	shalt  }
0x6d: {  	_ =	shalt  }
0x6e: {  	_ =	shalt  }
0x6f: {  	_ =	shalt  }
0x70: {  	_ =	shalt  }
0x71: {  	_ =	shalt  }
0x72: {  	_ =	shalt  }
0x73: {  	_ =	shalt  }
0x74: {  	_ =	shalt  }
0x75: {  	_ =	shalt  }
0x76: {  	_ =	shalt  }
0x77: {  	_ =	shalt  }
0x78: {  	_ =	shalt  }
0x79: {  	_ =	shalt  }
0x7a: {  	_ =	shalt  }
0x7b: {  	_ =	shalt  }
0x7c: {  	_ =	shalt  }
0x7d: {  	_ =	shalt  }
0x7e: {  	_ =	shalt  }
0x7f: {  	_ =	shalt  }
0x80: {  	_ =	shalt  }
0x81: {  	_ =	shalt  }
0x82: {  	_ =	shalt  }
0x83: {  	_ =	shalt  }
0x84: {  	_ =	shalt  }
0x85: {  	_ =	shalt  }
0x86: {  	_ =	shalt  }
0x87: {  	_ =	shalt  }
.Lfunc_end0:
.L_simem_size_0:
called_computation.1_lowered:
.L_overlay_start_0:
0x88: {  	s2 =	sld [smem:$0x3FD9]  }
0x89: {  	s3 =	sld [smem:$0x3FFE];
	_ =	sdelay $0x1  }
0x8a: {  	s1 =	srdreg.scid  }
0x8b: {  	s0 =	sand.u32 $0x1, s1  }
0x8c: {  	s16 =	sshll.u32 s0, $0xA;
	s2 =	sadd.s32 s3, s2  }
0x8d: {  	s2 =	sadd.s32 s2, s16  }
0x8e: {  	[smem:$0x3FBF] =	sst s2  }
0x8f: {  	_ = 	snop  }
0x90: {  	(tm) =	ssettm $0x1  }
0x91: {  	s17 =	sld [smem:$0x3FFB];
	_ =	sdelay $0x3  }
0x92: {  	_ =	strace s17  }
0x93: {  	s2 =	sld [smem:$0x3FFC];
	_ =	sdelay $0x3  }
0x94: {  	_ =	strace s2  }
0x95: {  	s2 =	sld [smem:$0x3FFD];
	_ =	sdelay $0x3  }
0x96: {  	_ =	strace s2  }
0x97: {  	_ =	strace $0x8FFFFFFF  }
0x98: {  	s18 =	sld [smem:$0x3FDB];
	_ =	sdelay $0x1  }
0x99: {  	s19 =	simm.s32 $_scs_section_size  }
0x9a: {  	s4 =	simm.s32 $_size__tile_overlayer_lowered;
	s5 =	simm.s32 $_tile_overlayer_lowered  }
0x9b: {  	s22 =	simm.s32 $0x1BFF;
	s21 =	sshll.u32 s5, $0x1;
	s2 =	sadd.s32 s19, s18  }
0x9c: {  	s6 =	simm.s32 $0x0;
	s20 =	sshll.u32 s4, $0x1;
	s4 =	sadd.s32 s21, s2  }
0x9d: {  	[timem:s6], [sflag:s22] =	dma.local [hbm:s4], s20  }
0x9e: {  	_ =	swait.ge [sflag:s22], s20  }
0x9f: {  	s3 =	ssub.s32 $0x0, s20;
	[sflag:s22] =	ssyncset.done $0x0  }
0xa0: {  	[sflag:s22] =	ssyncadd.s32 s3;
	_ =	sdelay $0x1  }
0xa1: {  	s23 =	simm.s32 $0x1B8B  }
0xa2: {  	_ =	swait.ge [sflag:s23], $0x1  }
0xa3: {  	[sflag:s23] =	ssyncset.done $0x0  }
0xa4: {  	s25 =	simm.s32 $0x1B8E;
	s24 =	sld [smem:$0x3FFE];
	[sflag:s23] =	ssyncadd.s32 $0xFFFFFFFF  }
0xa5: {  	s26 =	simm.s32 $execute0_lowered;
	[smem:$0x3FD2] =	sst s25  }
0xa6: {  	s4 =	sshll.u32 s26, $0x1;
	_ =	strace $0x80000049;
	[dreg:$0x1] =	wrdreg $0xFFFFFFFF  }
0xa7: {  	s28 =	simm.s32 $_size_execute0_lowered;
	s2 =	sadd.s32 s2, s4;
	[dreg:$0x0] =	wrdreg $0x0  }
0xa8: {  	s4 =	sshll.u32 s28, $0x1;
	[dreg:$0x2] =	wrdreg s2  }
0xa9: {  	[dreg:$0x3] =	wrdreg s4  }
0xaa: {  	[dreg:$0x4] =	wrdreg $0xC0  }
0xab: {  	_ =	task [dreg:s6], $0x5FFFF  }
0xac: {  	[dreg:$0x1] =	wrdreg $0xFFFFFFFF  }
0xad: {  	[dreg:$0x0] =	wrdreg $0x60  }
0xae: {  	[dreg:$0x2] =	wrdreg s24  }
0xaf: {  	[dreg:$0x3] =	wrdreg $0x90000  }
0xb0: {  	[dreg:$0x4] =	wrdreg $0x9  }
0xb1: {  	_ =	task.clear_ibuf [dreg:s6], $0x5FFFF;
	_ =	strace $0x90000049  }
0xb2: {  	s29 =	simm.s32 $0x9;
	_ =	strace $0x8000004B  }
0xb3: {  	_ =	swait.ge [sflag:s29], $0x1  }
0xb4: {  	[sflag:s29] =	ssyncadd.s32 $0xFFFFFFFF  }
0xb5: {  	_ =	strace $0x9000004B  }
0xb6: {  	_ =	sfence  }
0xb7: {  	s30 =	sld [smem:$0x0];
	_ =	sdelay $0x2  }
0xb8: {  	s31 =	sshll.u32 s1, $0xD;
	s1 =	sshrl.u32 s1, $0x2  }
0xb9: {  	s3 =	sand.u32 $0x4000, s31;
	s1 =	sadd.s32 s1, s30  }
0xba: {  	s0 =	sor.u32 s3, s0;
	s1 =	sshll.u32 s1, $0x11  }
0xbb: {  	s0 =	sor.u32 s1, s0  }
0xbc: {  	s0 =	sadd.s32 $0x8F2B, s0  }
0xbd: {  	[sflag:s0] =	ssyncadd.remote.s32 $0x1  }
0xbe: {  	_ =	sfence.sel $0xFFFF  }
0xbf: {  	[dreg:$0x0] =	wrdreg $0xFFFFFFFF;
	(pc) =	sbr.abs _section_cstart, $3  }
0xc0: {  	[dreg:$0x1] =	wrdreg $0xFFFFFFFF  }
0xc1: {  	_ =	task.clear_ibuf [dreg:s6], $0x2FFFF;
	_ =	strace $0x9FFFFFFF  }
0xc2: {  	(tm) =	ssettm $0x7FFFFFFF  }
0xc3: {  	_ =	shalt  }
tec
execute0_lowered:
.L_overlay_start_1:
0x0: {  	(tag) =	ssettag $0x1  }
0x1: {  	s4 =	rddreg [dreg:$0x0];
	s0 =	stileid.u32  }
0x2: {  	s1 =	srdreg.scid;
	s2 =	rddreg [dreg:$0x1];
	s3 =	simm.s32 $0x0  }
0x3: {  	s17 =	simm.s32 $0x1;
	s18 =	simm.s32 $0x4000;
	s19 =	simm.s32 $0x50  }
0x4: {  	s5 =	smul.u32 $0x4E200, s0;
	s10 =	sand.u32 $0x1, s1;
	s1 =	rddreg [dreg:$0x2]  }
0x5: {  	s22 =	simm.s32 $0x0;
	[smem:$0x7FF] =	sst s3;
	s7 =	smul.u32 $0x14000, s0  }
0x6: {  	s8 =	sshll.u32 s0, $0xC;
	s30 =	smul.u32 $0x50000, s0;
	s20 =	sshll.u32 s0, $0x6  }
0x7: {  	s6 =	smul.u32 $0x140000, s10;
	_ =	strace $0x8000004A;
	s9 =	sshll.u32 s10, $0xB  }
0x8: {  	s29 =	ssub.s32 $0x2, s10;
	s16 =	smul.u32 $0x27100, s10;
	s20 =	sor.u32 $0x1C01, s20  }
0x9: {  	s15 =	sadd.s32 s5, s4;
	s28 =	sor.u32 s9, s8;
	s31 =	sshrl.u32 s29, $0x1  }
0xa: {  	s8 =	sshrl.u32 s30, $0x2;
	s6 =	sadd.s32 s7, s6;
	s5 =	sadd.s32 s28, s4  }
0xb: {  	s7 =	ssub.s32 s29, s31;
	s15 =	sadd.s32 s16, s15;
	s6 =	sshrl.u32 s6, $0x3  }
0xc: {  	s16 =	simm.s32 $0x6800;
	s7 =	smax.u32 s7, $0x1;
	s6 =	sadd.s32 s6, s4  }
0xd: {  	s4 =	sadd.s32 $0x4FCC00, s5;
	s5 =	sadd.s32 $0x1600, s6;
	s6 =	sadd.s32 s8, s2  }
0xe: {  	s15 =	sadd.s32 $0x9EEC00, s15;
	s8 =	sadd.s32 $0x2800, s6;
	s9 =	sadd.s32 $0x5000, s6  }
0xf: {  	s10 =	sadd.s32 $0x7800, s6;
	s11 =	sadd.s32 $0xA000, s6;
	s12 =	sadd.s32 $0xC800, s6  }
0x10: {  	v0 =	vimm.f32 $0.0e+00;
	s13 =	sadd.s32 $0xF000, s6;
	s14 =	sadd.s32 $0x11800, s6;
	s21 =	sshrl.u32 s6, $0x3  }
.LBB2_1:
0x11: {  	s23 =	simm.s32 $0x0;
	s24 =	simm.s32 $0x200  }
.LBB2_2:
0x12: {  	p0 =	sne.s32 s24, $0x9E00;
	[tilespmem:s23+$0x6870] =	vst v0  }
0x13: {  	[tilespmem:s23+$0x6800] =	vst v0  }
0x14: {  	[tilespmem:s23+$0x6810] =	vst v0  }
.Ltmp0:
0x15: {  	[tilespmem:s23+$0x6820] =	vst v0;
	(pc) =	sbr.rel @p0 .LBB2_2-.Ltmp0, $4  }
0x16: {  	[tilespmem:s23+$0x6830] =	vst v0  }
0x17: {  	[tilespmem:s23+$0x6840] =	vst v0  }
0x18: {  	[tilespmem:s23+$0x6850] =	vst v0  }
0x19: {  	[tilespmem:s23+$0x6860] =	vst v0;
	s23 =	sshra.s32 s24, $0x2;
	s24 =	sadd.s32 $0x200, s24  }
0x1a: {  	[tilespmem:s23+$0x6870] =	vst v0  }
0x1b: {  	[tilespmem:s23+$0x6800] =	vst v0  }
0x1c: {  	[tilespmem:s23+$0x6810] =	vst v0  }
0x1d: {  	[tilespmem:s23+$0x6820] =	vst v0  }
0x1e: {  	[tilespmem:s23+$0x6830] =	vst v0  }
0x1f: {  	[tilespmem:s23+$0x6840] =	vst v0  }
0x20: {  	[tilespmem:s23+$0x6850] =	vst v0  }
0x21: {  	[tilespmem:s23+$0x6860] =	vst v0  }
0x22: {  	[spmem:s6] =	stream.linear.scatter [tilespmem:s16], [sflag:$0x1], $0x2800, $0x38;
	[tilespmem:$0x1D000] =	vst v63  }
0x23: {  	_ =	swait.ge [sflag:s17], $0x2800  }
0x24: {  	[sflag:s17] =	ssyncset.done $0x0  }
0x25: {  	[sflag:s17] =	ssyncadd.s32 $0xFFFFD800  }
0x26: {  	[spmem:s8] =	stream.linear.scatter [tilespmem:s16], [sflag:$0x1], $0x2800, $0x38;
	[tilespmem:$0x1D000] =	vst v63  }
0x27: {  	_ =	swait.ge [sflag:s17], $0x2800  }
0x28: {  	[sflag:s17] =	ssyncset.done $0x0  }
0x29: {  	[sflag:s17] =	ssyncadd.s32 $0xFFFFD800  }
0x2a: {  	[spmem:s9] =	stream.linear.scatter [tilespmem:s16], [sflag:$0x1], $0x2800, $0x38;
	[tilespmem:$0x1D000] =	vst v63  }
0x2b: {  	_ =	swait.ge [sflag:s17], $0x2800  }
0x2c: {  	[sflag:s17] =	ssyncset.done $0x0  }
0x2d: {  	[sflag:s17] =	ssyncadd.s32 $0xFFFFD800  }
0x2e: {  	[spmem:s10] =	stream.linear.scatter [tilespmem:s16], [sflag:$0x1], $0x2800, $0x38;
	[tilespmem:$0x1D000] =	vst v63  }
0x2f: {  	_ =	swait.ge [sflag:s17], $0x2800  }
0x30: {  	[sflag:s17] =	ssyncset.done $0x0  }
0x31: {  	[sflag:s17] =	ssyncadd.s32 $0xFFFFD800  }
0x32: {  	[spmem:s11] =	stream.linear.scatter [tilespmem:s16], [sflag:$0x1], $0x2800, $0x38;
	[tilespmem:$0x1D000] =	vst v63  }
0x33: {  	_ =	swait.ge [sflag:s17], $0x2800  }
0x34: {  	[sflag:s17] =	ssyncset.done $0x0  }
0x35: {  	[sflag:s17] =	ssyncadd.s32 $0xFFFFD800  }
0x36: {  	[spmem:s12] =	stream.linear.scatter [tilespmem:s16], [sflag:$0x1], $0x2800, $0x38;
	[tilespmem:$0x1D000] =	vst v63  }
0x37: {  	_ =	swait.ge [sflag:s17], $0x2800  }
0x38: {  	[sflag:s17] =	ssyncset.done $0x0  }
0x39: {  	[sflag:s17] =	ssyncadd.s32 $0xFFFFD800  }
0x3a: {  	[spmem:s13] =	stream.linear.scatter [tilespmem:s16], [sflag:$0x1], $0x2800, $0x38;
	[tilespmem:$0x1D000] =	vst v63  }
0x3b: {  	_ =	swait.ge [sflag:s17], $0x2800  }
0x3c: {  	[sflag:s17] =	ssyncset.done $0x0  }
0x3d: {  	[sflag:s17] =	ssyncadd.s32 $0xFFFFD800  }
0x3e: {  	[spmem:s14] =	stream.linear.scatter [tilespmem:s16], [sflag:$0x1], $0x2800, $0x38;
	[tilespmem:$0x1D000] =	vst v63  }
0x3f: {  	_ =	swait.ge [sflag:s17], $0x2800  }
0x40: {  	[sflag:s17] =	ssyncset.done $0x0  }
0x41: {  	s30 =	simm.s32 $0x0;
	[sflag:s17] =	ssyncadd.s32 $0xFFFFD800  }
0x42: {  	[tilespmem:s30], [sflag:$0x1] =	stream.linear.gather [hbm4b:s4+s30], $0x3E80, $0x38;
	[tilespmem:$0x1D000] =	vst v63  }
0x43: {  	_ =	swait.ge [sflag:s17], $0x3E80  }
0x44: {  	[sflag:s17] =	ssyncset.done $0x0  }
0x45: {  	[sflag:s17] =	ssyncadd.s32 $0xFFFFC180  }
0x46: {  	[bflag:$0x0] =	sbarrier.arrive $0xFFFF  }
0x47: {  	[tilespmem:s18], [sflag:$0x1] =	stream.linear.gather [hbm4b:s15+s3], $0x2800, $0x38;
	[tilespmem:$0x1D000] =	vst v63  }
0x48: {  	_ =	swait.ge [sflag:s17], $0x2800  }
0x49: {  	[sflag:s17] =	ssyncset.done $0x0  }
0x4a: {  	s31 =	simm.s32 $0x0;
	[sflag:s17] =	ssyncadd.s32 $0xFFFFD800  }
0x4b: {  	[spmem:s2] =	stream.indirect.scatter.add.f32 [tilespmem:s18], [sflag:$0x1], $0x80, s31, s19, $0xb8;
	[tilespmem:$0x1D000] =	vst v63  }
0x4c: {  	_ =	swait.ge [sflag:s17], $0x2800  }
0x4d: {  	s23 =	simm.s32 $0x200;
	s24 =	smov.u32 s15;
	[sflag:s17] =	ssyncset.done $0x0  }
.LBB2_4:
0x4e: {  	p0 =	sne.s32 s23, $0xF800;
	[sflag:s17] =	ssyncadd.s32 $0xFFFFD800;
	s24 =	sadd.s32 $0x500, s24  }
0x4f: {  	[tilespmem:s18], [sflag:$0x1] =	stream.linear.gather [hbm4b:s24+s3], $0x2800, $0x38;
	[tilespmem:$0x1D000] =	vst v63  }
0x50: {  	s25 =	smov.u32 s23;
	s23 =	sadd.s32 $0x200, s23;
	_ =	swait.ge [sflag:s17], $0x2800  }
.Ltmp1:
0x51: {  	[sflag:s17] =	ssyncset.done $0x0;
	(pc) =	sbr.rel @p0 .LBB2_4-.Ltmp1, $4  }
0x52: {  	s25 =	sshra.s32 s25, $0x2;
	[sflag:s17] =	ssyncadd.s32 $0xFFFFD800  }
0x53: {  	[spmem:s2] =	stream.indirect.scatter.add.f32 [tilespmem:s18], [sflag:$0x1], $0x80, s25, s19, $0xb8;
	[tilespmem:$0x1D000] =	vst v63  }
0x54: {  	_ =	swait.ge [sflag:s17], $0x2800  }
0x55: {  	[sflag:s17] =	ssyncset.done $0x0  }
0x56: {  	s22 =	sadd.s32 $0x1, s22  }
0x57: {  	[sflag:s17] =	ssyncadd.s32 $0xFFFFD800;
	p0 =	sne.s32 s22, s7  }
.Ltmp2:
0x58: {  	[bflag:$0x0] =	sbarrier.arrive $0xFFFF;
	(pc) =	sbr.rel @p0 .LBB2_1-.Ltmp2, $4  }
0x59: {  	[hbm:s5], [sflag:s20] =	dma.local [spmem:s21], $0x2800  }
0x5a: {  	_ =	swait.ge [sflag:s17], $0x2800  }
0x5b: {  	[sflag:s17] =	ssyncset.done $0x0  }
0x5c: {  	[sflag:s17] =	ssyncadd.s32 $0xFFFFD800  }
0x5d: {  	_ =	sfence.sel $0x180000  }
0x5e: {  	[bflag:$0x0] =	sbarrier.arrive $0xFFFF  }
0x5f: {  	p0 =	sne.s32 s0, $0x0;
	_ =	strace $0x9000004A  }
0x60: {  	s0 =	sadd.s32 @!p0 $0x100000, s1;
	[bflag:$0x2] =	sbarrier.arrive $0xFFFF  }
0x61: {  	[sflag:s0] =	ssyncadd.tile.s32 @!p0 $0x1;
	_ =	shalt  }
.Lfunc_end2:
_tile_overlayer_lowered:
.L_overlay_start_2:
0x62: {  	(tag) =	ssettag $0x2  }
0x63: {  	s0 =	rddreg [dreg:$0x0];
	s2 =	stileid.u32  }
0x64: {  	s1 =	rddreg [dreg:$0x1];
	p0 =	sne.s32 s2, $0x0  }
0x65: {  	s3 =	rddreg [dreg:$0x2];
	[bflag:$0x3] =	sbarrier.arrive $0xFFFF;
	s2 =	simm.s32 @!p0 $0x1C01  }
0x66: {  	[timem:s3], [sflag:s2] =	dma.local @!p0 [hbm:s0], s1  }
0x67: {  	s0 =	simm.s32 @!p0 $0x1  }
0x68: {  	_ =	swait.ge @!p0 [sflag:s0], s1  }
0x69: {  	s1 =	ssub.s32 @!p0 $0x0, s1;
	[sflag:s0] =	ssyncset.done @!p0 $0x0  }
0x6a: {  	[sflag:s0] =	ssyncadd.s32 @!p0 s1  }
0x6b: {  	[bflag:$0x3] =	sbarrier.arrive $0xFFFF  }
0x6c: {  	_ =	shalt  }

// kernel: kernel.7.cloned.1.call-start
scs
__scs_entry_jumppad:
0x0: {  	(pc) =	sbr.rel $0x88, $3  }
0x1: {  	(tag) =	ssettag $0x0;
	lr =	simm.s32 $0x1  }
0x2: {  	[smem:$0x3F98] =	sst lr;
	_ =	strace $0xD0000000  }
0x3: {  	_ = 	snop  }
0x4: {  	_ = 	snop  }
0x5: {  	_ = 	snop  }
0x6: {  	_ = 	snop  }
0x7: {  	_ = 	snop  }
__scs_overlays_trampoline_lowered:
0x8: {  	[smem:$0x3FA7] =	sst s0  }
0x9: {  	[smem:$0x3FA8] =	sst s1  }
0xa: {  	[smem:$0x3FA9] =	sst s2  }
0xb: {  	[smem:$0x3FAA] =	sst s3  }
0xc: {  	[smem:$0x3FAB] =	sst s4  }
0xd: {  	[smem:$0x3FAC] =	sst s5  }
0xe: {  	[smem:$0x3FAD] =	sst s6  }
0xf: {  	[smem:$0x3FAE] =	sst s7  }
0x10: {  	[smem:$0x3FAF] =	sst s8  }
0x11: {  	[smem:$0x3FB0] =	sst s9;
	s0 =	simm.s32 @!p0 $0x0  }
0x12: {  	s1 =	sld [smem:$0x3F96];
	s0 =	simm.s32 @p0 $0x1  }
0x13: {  	[smem:$0x3FB1] =	sst s0;
	s0 =	simm.s32 @!p1 $0x0  }
0x14: {  	s2 =	sld [smem:$0x3F95];
	s0 =	simm.s32 @p1 $0x1  }
0x15: {  	[smem:$0x3FB2] =	sst s0;
	s0 =	simm.s32 @!p2 $0x0  }
0x16: {  	s3 =	sld [smem:$0x3FDB];
	s0 =	simm.s32 @p2 $0x1  }
0x17: {  	s4 =	simm.s32 $0x1BF5;
	[smem:$0x3FB4] =	sst s0  }
0x18: {  	s0 =	sld [smem:$0x3F97];
	_ =	swait.ge [sflag:s4], $0x0  }
0x19: {  	s7 =	sld [smem:$0x3F98]  }
0x1a: {  	s8 =	sadd.s32 $0xFFFFE003, lr  }
0x1b: {  	s9 =	sadd.s32 $0xFFFFFEF7, lr;
	s5 =	simm.s32 $0xFFFFFFFF;
	p2 =	slt.u32 s8, $0xFFFFF086  }
0x1c: {  	p1 =	slt.u32 s9, $0xF7A;
	s5 =	simm.s32 @!p2 $0x0  }
0x1d: {  	s5 =	simm.s32 @p1 $0x1;
	p0 =	seq.s32 s7, s2  }
0x1e: {  	s7 =	smul.u32 @!p0 $0xF7A, s2;
	p2 =	seq.s32 @!p0 s5, $0x0  }
0x1f: {  	s9 =	smul.u32 $0xF7A, s1;
	s8 =	simm.s32 @!p0 $0x1BF5;
	p2 =	por !p2, p0  }
0x20: {  	[sflag:s8] =	ssyncset.s32 @!p0 $0xFFFFF086;
	s6 =	sadd.s32 @!p0 s3, s7;
	s7 =	simm.s32 @!p0 $0x108  }
0x21: {  	s3 =	sadd.s32 s3, s9;
	s6 =	sadd.s32 @!p0 $0x88, s6;
	s7 =	simm.s32 @p2 $0x1082  }
0x22: {  	[simem:s7], [sflag:s8] =	dma.local @!p0 [hbm:s6], $0xF7A  }
0x23: {  	s9 =	sor.u32 $0xD0000000, s2;
	s6 =	simm.s32 $0x108;
	_ =	swait.ge @!p0 [sflag:s8], $0x0  }
0x24: {  	s3 =	sadd.s32 $0x88, s3;
	s6 =	simm.s32 @!p1 $0x1082;
	[sflag:s4] =	ssyncset.s32 $0xFFFFF086  }
0x25: {  	[simem:s6], [sflag:s4] =	dma.local [hbm:s3], $0xF7A  }
0x26: {  	[smem:$0x3F98] =	sst s1;
	(tag) =	ssettag s2;
	_ =	strace s9  }
0x27: {  	s1 =	sld [smem:$0x3FA8]  }
0x28: {  	s2 =	sld [smem:$0x3FA9]  }
0x29: {  	s4 =	sld [smem:$0x3FAB]  }
0x2a: {  	p0 =	seq.s32 s5, $0x0;
	s5 =	sld [smem:$0x3FAC]  }
0x2b: {  	s6 =	sld [smem:$0x3FAD]  }
0x2c: {  	s7 =	sld [smem:$0x3FAE]  }
0x2d: {  	s3 =	simm.s32 $0x108;
	s8 =	sld [smem:$0x3FAF]  }
0x2e: {  	s3 =	simm.s32 @!p0 $0x1082;
	s9 =	sld [smem:$0x3FB0]  }
0x2f: {  	lr =	sadd.s32 s0, s3;
	s0 =	sld [smem:$0x3FA7]  }
0x30: {  	s3 =	sld [smem:$0x3FAA]  }
0x31: {  	[smem:$0x3FB3] =	sst s10  }
0x32: {  	s10 =	sld [smem:$0x3FB1];
	_ =	sdelay $0x3  }
0x33: {  	p0 =	seq.s32 s10, $0x1;
	s10 =	sld [smem:$0x3FB3];
	_ =	sdelay $0x3  }
0x34: {  	[smem:$0x3FB3] =	sst s10  }
0x35: {  	s10 =	sld [smem:$0x3FB2];
	_ =	sdelay $0x3  }
0x36: {  	p1 =	seq.s32 s10, $0x1;
	s10 =	sld [smem:$0x3FB3];
	_ =	sdelay $0x3  }
0x37: {  	[smem:$0x3FB3] =	sst s10  }
0x38: {  	s10 =	sld [smem:$0x3FB4]  }
0x39: {  	_ = 	snop;
	(pc) =	sbr.ind lr, $3  }
0x3a: {  	_ = 	snop  }
0x3b: {  	_ = 	snop  }
0x3c: {  	p2 =	seq.s32 s10, $0x1;
	s10 =	sld [smem:$0x3FB3]  }
0x3d: {  	_ =	shalt  }
0x3e: {  	_ =	shalt  }
0x3f: {  	_ =	shalt  }
0x40: {  	_ =	shalt  }
0x41: {  	_ =	shalt  }
0x42: {  	_ =	shalt  }
0x43: {  	_ =	shalt  }
0x44: {  	_ =	shalt  }
0x45: {  	_ =	shalt  }
0x46: {  	_ =	shalt  }
0x47: {  	_ =	shalt  }
0x48: {  	_ =	shalt  }
0x49: {  	_ =	shalt  }
0x4a: {  	_ =	shalt  }
0x4b: {  	_ =	shalt  }
0x4c: {  	_ =	shalt  }
0x4d: {  	_ =	shalt  }
0x4e: {  	_ =	shalt  }
0x4f: {  	_ =	shalt  }
0x50: {  	_ =	shalt  }
0x51: {  	_ =	shalt  }
0x52: {  	_ =	shalt  }
0x53: {  	_ =	shalt  }
0x54: {  	_ =	shalt  }
0x55: {  	_ =	shalt  }
0x56: {  	_ =	shalt  }
0x57: {  	_ =	shalt  }
0x58: {  	_ =	shalt  }
0x59: {  	_ =	shalt  }
0x5a: {  	_ =	shalt  }
0x5b: {  	_ =	shalt  }
0x5c: {  	_ =	shalt  }
0x5d: {  	_ =	shalt  }
0x5e: {  	_ =	shalt  }
0x5f: {  	_ =	shalt  }
0x60: {  	_ =	shalt  }
0x61: {  	_ =	shalt  }
0x62: {  	_ =	shalt  }
0x63: {  	_ =	shalt  }
0x64: {  	_ =	shalt  }
0x65: {  	_ =	shalt  }
0x66: {  	_ =	shalt  }
0x67: {  	_ =	shalt  }
0x68: {  	_ =	shalt  }
0x69: {  	_ =	shalt  }
0x6a: {  	_ =	shalt  }
0x6b: {  	_ =	shalt  }
0x6c: {  	_ =	shalt  }
0x6d: {  	_ =	shalt  }
0x6e: {  	_ =	shalt  }
0x6f: {  	_ =	shalt  }
0x70: {  	_ =	shalt  }
0x71: {  	_ =	shalt  }
0x72: {  	_ =	shalt  }
0x73: {  	_ =	shalt  }
0x74: {  	_ =	shalt  }
0x75: {  	_ =	shalt  }
0x76: {  	_ =	shalt  }
0x77: {  	_ =	shalt  }
0x78: {  	_ =	shalt  }
0x79: {  	_ =	shalt  }
0x7a: {  	_ =	shalt  }
0x7b: {  	_ =	shalt  }
0x7c: {  	_ =	shalt  }
0x7d: {  	_ =	shalt  }
0x7e: {  	_ =	shalt  }
0x7f: {  	_ =	shalt  }
0x80: {  	_ =	shalt  }
0x81: {  	_ =	shalt  }
0x82: {  	_ =	shalt  }
0x83: {  	_ =	shalt  }
0x84: {  	_ =	shalt  }
0x85: {  	_ =	shalt  }
0x86: {  	_ =	shalt  }
0x87: {  	_ =	shalt  }
.Lfunc_end0:
.L_simem_size_0:
called_computation_lowered:
.L_overlay_start_0:
0x88: {  	s2 =	sld [smem:$0x3FD9]  }
0x89: {  	s3 =	sld [smem:$0x3FFE];
	_ =	sdelay $0x1  }
0x8a: {  	s1 =	srdreg.scid  }
0x8b: {  	s0 =	sand.u32 $0x1, s1  }
0x8c: {  	s14 =	sshll.u32 s0, $0xA;
	s2 =	sadd.s32 s3, s2  }
0x8d: {  	s2 =	sadd.s32 s2, s14  }
0x8e: {  	[smem:$0x3FBF] =	sst s2  }
0x8f: {  	_ = 	snop  }
0x90: {  	s2 =	sld [smem:$0x3FD0];
	_ =	sdelay $0x1  }
0x91: {  	s15 =	sld [smem:$0x3FC9]  }
0x92: {  	s5 =	simm.s32 $0xA;
	s6 =	simm.s32 $0x10;
	s4 =	sld [smem:$0x3FC6]  }
0x93: {  	[smem:s6], [sflag:s5] =	dma.local [hbm:s2], $0x1  }
0x94: {  	_ =	swait.eq [sflag:s5], $0x1  }
0x95: {  	[sflag:s5] =	ssyncset.done $0x0  }
0x96: {  	[sflag:s5] =	ssyncadd.s32 $0xFFFFFFFF  }
0x97: {  	s16 =	sld [smem:$0x10];
	(tm) =	ssettm $0x1  }
0x98: {  	s17 =	sld [smem:$0x3FFB];
	_ =	sdelay $0x3  }
0x99: {  	_ =	strace s17  }
0x9a: {  	s5 =	sld [smem:$0x3FFC];
	_ =	sdelay $0x3  }
0x9b: {  	_ =	strace s5  }
0x9c: {  	s5 =	sld [smem:$0x3FFD];
	_ =	sdelay $0x3  }
0x9d: {  	_ =	strace s5  }
0x9e: {  	_ =	strace $0x8FFFFFFF  }
0x9f: {  	s18 =	sld [smem:$0x3FDB];
	_ =	sdelay $0x1  }
0xa0: {  	s19 =	simm.s32 $_scs_section_size  }
0xa1: {  	s7 =	simm.s32 $_size__tile_overlayer_lowered;
	s8 =	simm.s32 $_tile_overlayer_lowered  }
0xa2: {  	s22 =	simm.s32 $0x1BFF;
	s21 =	sshll.u32 s8, $0x1;
	s5 =	sadd.s32 s19, s18  }
0xa3: {  	s9 =	simm.s32 $0x0;
	s20 =	sshll.u32 s7, $0x1;
	s7 =	sadd.s32 s21, s5  }
0xa4: {  	[timem:s9], [sflag:s22] =	dma.local [hbm:s7], s20  }
0xa5: {  	_ =	swait.ge [sflag:s22], s20  }
0xa6: {  	s6 =	ssub.s32 $0x0, s20;
	[sflag:s22] =	ssyncset.done $0x0  }
0xa7: {  	[sflag:s22] =	ssyncadd.s32 s6;
	_ =	sdelay $0x1  }
0xa8: {  	s23 =	simm.s32 $0x1B8B  }
0xa9: {  	_ =	swait.ge [sflag:s23], $0x1  }
0xaa: {  	[sflag:s23] =	ssyncset.done $0x0  }
0xab: {  	s25 =	simm.s32 $0x1B8E;
	s24 =	sld [smem:$0x3FFE];
	[sflag:s23] =	ssyncadd.s32 $0xFFFFFFFF  }
0xac: {  	s26 =	simm.s32 $execute0_lowered;
	[smem:$0x3FD2] =	sst s25  }
0xad: {  	s7 =	sshll.u32 s26, $0x1;
	_ =	strace $0x80000046;
	[dreg:$0x1] =	wrdreg $0xFFFFFFFF  }
0xae: {  	s28 =	simm.s32 $_size_execute0_lowered;
	s5 =	sadd.s32 s5, s7;
	[dreg:$0x0] =	wrdreg $0x0  }
0xaf: {  	s7 =	sshll.u32 s28, $0x1;
	[dreg:$0x2] =	wrdreg s5  }
0xb0: {  	[dreg:$0x3] =	wrdreg s7  }
0xb1: {  	[dreg:$0x4] =	wrdreg $0xC0  }
0xb2: {  	_ =	task [dreg:s9], $0x5FFFF  }
0xb3: {  	[dreg:$0x1] =	wrdreg $0xFFFFFFFF  }
0xb4: {  	[dreg:$0x0] =	wrdreg $0x60  }
0xb5: {  	[dreg:$0x2] =	wrdreg s15  }
0xb6: {  	[dreg:$0x3] =	wrdreg s4  }
0xb7: {  	[dreg:$0x4] =	wrdreg s16  }
0xb8: {  	[dreg:$0x5] =	wrdreg s24  }
0xb9: {  	[dreg:$0x6] =	wrdreg $0x9  }
0xba: {  	_ =	task.clear_ibuf [dreg:s9], $0x7FFFF;
	_ =	strace $0x90000046  }
0xbb: {  	s29 =	simm.s32 $0x9;
	_ =	strace $0x80000048  }
0xbc: {  	_ =	swait.ge [sflag:s29], $0x1  }
0xbd: {  	[sflag:s29] =	ssyncadd.s32 $0xFFFFFFFF  }
0xbe: {  	_ =	strace $0x90000048  }
0xbf: {  	_ =	sfence  }
0xc0: {  	s30 =	sld [smem:$0x0];
	_ =	sdelay $0x2  }
0xc1: {  	s31 =	sshll.u32 s1, $0xD;
	s1 =	sshrl.u32 s1, $0x2  }
0xc2: {  	s3 =	sand.u32 $0x4000, s31;
	s1 =	sadd.s32 s1, s30  }
0xc3: {  	s0 =	sor.u32 s3, s0;
	s1 =	sshll.u32 s1, $0x11  }
0xc4: {  	s0 =	sor.u32 s1, s0  }
0xc5: {  	s0 =	sadd.s32 $0x8F2B, s0  }
0xc6: {  	[sflag:s0] =	ssyncadd.remote.s32 $0x1  }
0xc7: {  	_ =	sfence.sel $0xFFFF  }
0xc8: {  	[dreg:$0x0] =	wrdreg $0xFFFFFFFF;
	(pc) =	sbr.abs _section_cstart, $3  }
0xc9: {  	[dreg:$0x1] =	wrdreg $0xFFFFFFFF  }
0xca: {  	_ =	task.clear_ibuf [dreg:s9], $0x2FFFF;
	_ =	strace $0x9FFFFFFF  }
0xcb: {  	(tm) =	ssettm $0x7FFFFFFF  }
tec
execute0_lowered:
.L_overlay_start_1:
0x0: {  	(tag) =	ssettag $0x1  }
0x1: {  	s1 =	rddreg [dreg:$0x0]  }
0x2: {  	s2 =	rddreg [dreg:$0x1]  }
0x3: {  	s5 =	rddreg [dreg:$0x2];
	s3 =	srdreg.scid  }
0x4: {  	s0 =	stileid.u32;
	s6 =	rddreg [dreg:$0x3];
	s4 =	simm.s32 $0x0  }
0x5: {  	s12 =	simm.s32 $0x8000;
	s13 =	simm.s32 $0xA800;
	s14 =	simm.s32 $0x1  }
0x6: {  	s7 =	sand.u32 $0x1, s3;
	s8 =	sshll.u32 s0, $0x1;
	s3 =	rddreg [dreg:$0x4]  }
0x7: {  	s15 =	simm.s32 $0x0;
	[smem:$0x7FF] =	sst s4;
	s8 =	sor.u32 s7, s8  }
0x8: {  	s7 =	ssub.s32 $0x2, s7;
	s9 =	smul.u32 $0x27100, s8;
	s8 =	sshll.u32 s8, $0xB  }
0x9: {  	_ =	strace $0x80000047;
	s31 =	sshrl.u32 s7, $0x1;
	s10 =	sadd.s32 s8, s6  }
0xa: {  	s11 =	ssub.s32 s7, s31;
	s5 =	sadd.s32 s5, s8;
	s9 =	sadd.s32 s9, s6  }
0xb: {  	s6 =	sadd.s32 $0xAC00, s10;
	s8 =	smax.u32 s11, $0x1;
	s10 =	simm.s32 $0x4000  }
0xc: {  	s11 =	simm.s32 $0x50;
	s7 =	sadd.s32 $0x1AC00, s9;
	s9 =	simm.s32 $0x2  }
.LBB2_1:
0xd: {  	[tilespmem:s4], [sflag:$0x2] =	stream.linear.gather [hbm4b:s5+s4], $0x3E80, $0x38;
	[tilespmem:$0xD000] =	vst v63  }
0xe: {  	_ =	swait.ge [sflag:s9], $0x3E80  }
0xf: {  	[sflag:s9] =	ssyncset.done $0x0  }
0x10: {  	[sflag:s9] =	ssyncadd.s32 $0xFFFFC180  }
0x11: {  	[tilespmem:s10], [sflag:$0x2] =	stream.linear.gather [hbm4b:s6+s4], $0x3E80, $0x38;
	[tilespmem:$0xD000] =	vst v63  }
0x12: {  	_ =	swait.ge [sflag:s9], $0x3E80  }
0x13: {  	[sflag:s9] =	ssyncset.done $0x0  }
0x14: {  	s16 =	simm.s32 $0x0;
	[sflag:s9] =	ssyncadd.s32 $0xFFFFC180  }
.LBB2_2:
0x15: {  	s17 =	sshll.u32 s16, $0x7  }
0x16: {  	[tilespmem:s12], [sflag:$0x1] =	stream.indirect.gather [hbm4b:s1+s11], $0x80, s17, s11, $0xb8;
	[tilespmem:$0xD000] =	vst v63  }
0x17: {  	s17 =	sadd.s32 $0x4000, s17  }
0x18: {  	[tilespmem:s13], [sflag:$0x1] =	stream.indirect.gather [hbm4b:s2+s11], $0x80, s17, s11, $0xb8;
	[tilespmem:$0xD000] =	vst v63  }
0x19: {  	_ =	swait.ge [sflag:s14], $0x2800  }
0x1a: {  	[sflag:s14] =	ssyncset.done $0x0  }
0x1b: {  	[sflag:s14] =	ssyncadd.s32 $0xFFFFD800  }
0x1c: {  	_ =	swait.ge [sflag:s14], $0x2800  }
0x1d: {  	[sflag:s14] =	ssyncset.done $0x0  }
0x1e: {  	s17 =	simm.s32 $0x0;
	[sflag:s14] =	ssyncadd.s32 $0xFFFFD800  }
0x1f: {  	v7 =	vld [tilespmem:s17+$0xA800]  }
0x20: {  	v11 =	vld [tilespmem:s17+$0xA810]  }
0x21: {  	v5 =	vld [tilespmem:s17+$0xA820]  }
0x22: {  	v4 =	vld [tilespmem:s17+$0xA830]  }
0x23: {  	v3 =	vld [tilespmem:s17+$0xA840]  }
0x24: {  	v2 =	vld [tilespmem:s17+$0xA850]  }
0x25: {  	v1 =	vld [tilespmem:s17+$0xA860]  }
0x26: {  	v0 =	vld [tilespmem:s17+$0xA870]  }
0x27: {  	v12 =	vld [tilespmem:s17+$0x8000]  }
0x28: {  	v13 =	vld [tilespmem:s17+$0x8010]  }
0x29: {  	v10 =	vld [tilespmem:s17+$0x8020]  }
0x2a: {  	v9 =	vld [tilespmem:s17+$0x8030]  }
0x2b: {  	v8 =	vld [tilespmem:s17+$0x8040]  }
0x2c: {  	v6 =	vld [tilespmem:s17+$0x8050];
	v12 =	vadd.f32 v7, v12  }
0x2d: {  	s18 =	simm.s32 $0x200;
	v11 =	vadd.f32 v11, v13;
	v7 =	vld [tilespmem:s17+$0x8060]  }
.LBB2_3:
0x2e: {  	s19 =	sshra.s32 s18, $0x2;
	p0 =	sne.s32 s18, $0x9E00;
	[tilespmem:s17+$0x8000] =	vst v12;
	v5 =	vadd.f32 v5, v10;
	v10 =	vld [tilespmem:s17+$0x8070]  }
0x2f: {  	v12 =	vld [tilespmem:s19+$0xA800];
	[tilespmem:s17+$0x8010] =	vst v11;
	v4 =	vadd.f32 v4, v9  }
0x30: {  	v11 =	vld [tilespmem:s19+$0xA810];
	[tilespmem:s17+$0x8020] =	vst v5;
	v3 =	vadd.f32 v3, v8  }
0x31: {  	v5 =	vld [tilespmem:s19+$0xA820];
	[tilespmem:s17+$0x8030] =	vst v4;
	v2 =	vadd.f32 v2, v6  }
0x32: {  	v4 =	vld [tilespmem:s19+$0xA830];
	[tilespmem:s17+$0x8040] =	vst v3;
	v1 =	vadd.f32 v1, v7  }
0x33: {  	v3 =	vld [tilespmem:s19+$0xA840];
	[tilespmem:s17+$0x8050] =	vst v2;
	v0 =	vadd.f32 v0, v10  }
0x34: {  	v2 =	vld [tilespmem:s19+$0xA850];
	[tilespmem:s17+$0x8060] =	vst v1  }
0x35: {  	v1 =	vld [tilespmem:s19+$0xA860];
	[tilespmem:s17+$0x8070] =	vst v0;
	s17 =	smov.u32 s19  }
0x36: {  	v0 =	vld [tilespmem:s17+$0xA870]  }
0x37: {  	v6 =	vld [tilespmem:s17+$0x8000]  }
0x38: {  	v7 =	vld [tilespmem:s17+$0x8010]  }
.Ltmp0:
0x39: {  	v10 =	vld [tilespmem:s17+$0x8020];
	(pc) =	sbr.rel @p0 .LBB2_3-.Ltmp0, $4  }
0x3a: {  	v9 =	vld [tilespmem:s17+$0x8030]  }
0x3b: {  	v8 =	vld [tilespmem:s17+$0x8040]  }
0x3c: {  	v12 =	vadd.f32 v12, v6;
	v6 =	vld [tilespmem:s17+$0x8050]  }
0x3d: {  	s18 =	sadd.s32 $0x200, s18;
	v11 =	vadd.f32 v11, v7;
	v7 =	vld [tilespmem:s17+$0x8060]  }
0x3e: {  	[tilespmem:s17+$0x8000] =	vst v12;
	v5 =	vadd.f32 v5, v10;
	v63 =	vld [tilespmem:s17+$0x8070]  }
0x3f: {  	[tilespmem:s17+$0x8010] =	vst v11;
	v4 =	vadd.f32 v4, v9  }
0x40: {  	[tilespmem:s17+$0x8020] =	vst v5;
	v3 =	vadd.f32 v3, v8  }
0x41: {  	[tilespmem:s17+$0x8030] =	vst v4;
	v2 =	vadd.f32 v2, v6  }
0x42: {  	[tilespmem:s17+$0x8040] =	vst v3;
	v1 =	vadd.f32 v1, v7  }
0x43: {  	s18 =	smul.u32 $0x500, s16;
	s16 =	sadd.s32 $0x1, s16;
	[tilespmem:s17+$0x8050] =	vst v2;
	v0 =	vadd.f32 v0, v63  }
0x44: {  	p0 =	sne.s32 s16, $0x7D;
	[tilespmem:s17+$0x8060] =	vst v1  }
.Ltmp1:
0x45: {  	s31 =	sadd.s32 s7, s18;
	[tilespmem:s17+$0x8070] =	vst v0;
	(pc) =	sbr.rel @p0 .LBB2_2-.Ltmp1, $4  }
0x46: {  	[hbm4b:s31+s4] =	stream.linear.scatter [tilespmem:s12], [sflag:$0x2], $0x2800, $0x38;
	[tilespmem:$0xD000] =	vst v63  }
0x47: {  	_ =	swait.ge [sflag:s9], $0x2800  }
0x48: {  	[sflag:s9] =	ssyncset.done $0x0  }
0x49: {  	[sflag:s9] =	ssyncadd.s32 $0xFFFFD800  }
0x4a: {  	s15 =	sadd.s32 $0x1, s15  }
0x4b: {  	p0 =	sne.s32 s15, s8  }
.Ltmp2:
0x4c: {  	_ = 	snop;
	(pc) =	sbr.rel @p0 .LBB2_1-.Ltmp2, $1  }
0x4d: {  	_ =	sdelay $0x3  }
0x4e: {  	_ =	sfence.sel $0x180000  }
0x4f: {  	[bflag:$0x0] =	sbarrier.arrive $0xFFFF  }
0x50: {  	p0 =	sne.s32 s0, $0x0;
	_ =	strace $0x90000047  }
0x51: {  	s0 =	sadd.s32 @!p0 $0x100000, s3;
	[bflag:$0x2] =	sbarrier.arrive $0xFFFF  }
0x52: {  	[sflag:s0] =	ssyncadd.tile.s32 @!p0 $0x1;
	_ =	shalt  }
.Lfunc_end2:
_tile_overlayer_lowered:
.L_overlay_start_2:
0x53: {  	(tag) =	ssettag $0x2  }
0x54: {  	s0 =	rddreg [dreg:$0x0];
	s2 =	stileid.u32  }
0x55: {  	s1 =	rddreg [dreg:$0x1];
	p0 =	sne.s32 s2, $0x0  }
0x56: {  	s3 =	rddreg [dreg:$0x2];
	[bflag:$0x3] =	sbarrier.arrive $0xFFFF;
	s2 =	simm.s32 @!p0 $0x1C02  }
0x57: {  	[timem:s3], [sflag:s2] =	dma.local @!p0 [hbm:s0], s1  }
0x58: {  	s0 =	simm.s32 @!p0 $0x2  }
0x59: {  	_ =	swait.ge @!p0 [sflag:s0], s1  }
0x5a: {  	s1 =	ssub.s32 @!p0 $0x0, s1;
	[sflag:s0] =	ssyncset.done @!p0 $0x0  }
0x5b: {  	[sflag:s0] =	ssyncadd.s32 @!p0 s1  }
0x5c: {  	[bflag:$0x3] =	sbarrier.arrive $0xFFFF  }
0x5d: {  	_ =	shalt  }

</sc_bundles>
